<compile_context>
chip_gen: v7x
topology: tpu7x:2x2x1
jax: 0.10.2.dev20260603
libtpu: 0.0.44.dev20260713+nightly
codegen_flags: <defaults>
</compile_context>

<pallas_src>
import functools

import jax
import jax.numpy as jnp
from jax import lax
from jax.experimental import pallas as pl
from jax.experimental.pallas import tpu as pltpu
from jax.experimental.pallas import tpu_sc as plsc

N_NODES = 10000
N_EDGES = 320000
D = 128
R = 8
S = 10
EMB = 64
OUT = 16
AVG_DEG = 32.0

N_GROUPS = 4
N_SHARDS = 8
EDGES_PER_SHARD = N_EDGES // N_SHARDS
W_EDGES = 800
N_WINDOWS = EDGES_PER_SHARD // W_EDGES
BLKE = 16
PAIR_UNROLL = 8
UBLK_UNROLL = 5
NSTR = 12
WPK = NSTR * W_EDGES
ACC_W = N_NODES * R


@functools.cache
def _get_edge_kernel():
    mesh = plsc.VectorSubcoreMesh(core_axis_name="c", subcore_axis_name="s")
    return functools.partial(
        pl.kernel,
        out_type=jax.ShapeDtypeStruct((32 * ACC_W,), jnp.float32),
        mesh=mesh,
        scratch_types=[
            pltpu.VMEM((WPK,), jnp.float32),
            pltpu.VMEM((WPK,), jnp.float32),
            pltpu.VMEM((ACC_W,), jnp.float32),
            pltpu.SemaphoreType.DMA,
            pltpu.SemaphoreType.DMA,
        ],
        compiler_params=pltpu.CompilerParams(needs_layout_passes=False,
                                             skip_device_barrier=True),
    )(_edge_body)


def _edge_body(pack_hbm, out_hbm, buf0, buf1, acc_v, sem0, sem1):
    cid = lax.axis_index("c")
    sid = lax.axis_index("s")
    flat = cid * 16 + sid
    grp = flat // N_SHARDS
    shard = flat % N_SHARDS

    zero16 = jnp.zeros((BLKE,), jnp.float32)

    def _zstore(i, c):
        for z in range(8):
            acc_v[pl.ds((i * 8 + z) * BLKE, BLKE)] = zero16
        return c
    lax.fori_loop(0, ACC_W // (8 * BLKE), _zstore, 0)

    lanes = lax.iota(jnp.int32, BLKE)
    cj8 = lanes % R
    half = lanes // R
    mask_lo = half == 0
    mask_hi = half == 1
    is_kgrp = grp > 0
    kci = jnp.where(is_kgrp, grp - 1, 0)

    pair_sel = [half + 2 * p for p in range(R)]

    def _src(w):
        off = (shard * N_WINDOWS + w) * WPK
        return pack_hbm.at[pl.ds(off, WPK)]

    def _compute(w, buf):
        def _block(b, c):
            e0 = b * BLKE
            vx = buf[pl.ds(e0, BLKE)]
            vy = buf[pl.ds(W_EDGES + e0, BLKE)]
            vz = buf[pl.ds(2 * W_EDGES + e0, BLKE)]
            s = vx * vx + vy * vy + vz * vz
            si = plsc.bitcast(s, jnp.int32)
            seed = jnp.int32(0x5F3759DF) - lax.shift_right_logical(si, 1)
            y = plsc.bitcast(seed, jnp.float32)
            for _ in range(3):
                y = y * (1.5 - 0.5 * s * y * y)
            vk = jnp.where(kci == 0, vx, jnp.where(kci == 1, vy, vz))
            u16 = jnp.where(is_kgrp, vk * y, 1.0)
            rf16 = buf[pl.ds(11 * W_EDGES + e0, BLKE)]
            r16s = plsc.bitcast(rf16, jnp.int32) * R
            for p in range(R):
                re_pair = buf[pl.ds(3 * W_EDGES + (e0 + 2 * p) * R, BLKE)]
                u_pair = jnp.take(u16, pair_sel[p])
                r_pair = jnp.take(r16s, pair_sel[p])
                val = re_pair * u_pair
                idx = r_pair + cj8
                plsc.addupdate_scatter(acc_v, [idx], val, mask=mask_lo)
                plsc.addupdate_scatter(acc_v, [idx], val, mask=mask_hi)
            return c

        lax.fori_loop(0, W_EDGES // BLKE, _block, 0)

    pltpu.async_copy(_src(0), buf0, sem0)
    pltpu.async_copy(_src(1), buf1, sem1)
    last = N_WINDOWS - 1

    def _wpair(w2, carry):
        w = 2 * w2
        pltpu.make_async_copy(_src(w), buf0, sem0).wait()
        _compute(w, buf0)
        nxt0 = jnp.minimum(w + 2, last)
        pltpu.async_copy(_src(nxt0), buf0, sem0)
        pltpu.make_async_copy(_src(w + 1), buf1, sem1).wait()
        _compute(w + 1, buf1)
        nxt1 = jnp.minimum(w + 3, last)
        pltpu.async_copy(_src(nxt1), buf1, sem1)
        return carry

    lax.fori_loop(0, N_WINDOWS // 2, _wpair, 0)
    pltpu.make_async_copy(_src(last), buf0, sem0).wait()
    pltpu.make_async_copy(_src(last), buf1, sem1).wait()

    pltpu.sync_copy(acc_v, out_hbm.at[pl.ds(flat * ACC_W, ACC_W)])


BLK = 1000
GRID_N = N_NODES // BLK
_PREC = lax.Precision.HIGHEST


def _dense_body(nf_ref, part_ref, spc_ref, wr_ref, wv_ref, wm_ref, wres_ref,
                wsc_ref, wread_ref, semb_ref, x_ref, ro_ref):
    wr = wr_ref[...]
    wv = wv_ref[...]
    a = jnp.dot(part_ref[0], wr, precision=_PREC)
    b = jnp.dot(part_ref[1], wv[0:1, :] * wr, precision=_PREC)
    b += jnp.dot(part_ref[2], wv[1:2, :] * wr, precision=_PREC)
    b += jnp.dot(part_ref[3], wv[2:3, :] * wr, precision=_PREC)
    nf = nf_ref[...]
    agg = nf * a + b
    pre = (jnp.dot(agg * (1.0 / AVG_DEG), wm_ref[...], precision=_PREC)
           + jnp.dot(nf, wres_ref[...], precision=_PREC))
    spc = spc_ref[0]
    sp_iota = lax.broadcasted_iota(jnp.int32, (S, BLK), 0)
    onehot_t = (jnp.broadcast_to(spc, (S, BLK)) == sp_iota).astype(jnp.float32)
    table2 = jnp.dot(semb_ref[...], wsc_ref[...], precision=_PREC)
    g = lax.dot_general(onehot_t, table2, (((0,), (0,)), ((), ())),
                        precision=_PREC)
    x = pre * (g * jax.nn.sigmoid(g))
    x_ref[...] = x
    ro_ref[...] = jnp.dot(x, wread_ref[...], precision=_PREC)


_dense_call = pl.pallas_call(
    _dense_body,
    grid=(GRID_N,),
    in_specs=[
        pl.BlockSpec((BLK, D), lambda i: (i, 0)),
        pl.BlockSpec((N_GROUPS, BLK, R), lambda i: (0, i, 0)),
        pl.BlockSpec((1, 1, BLK), lambda i: (i, 0, 0)),
        pl.BlockSpec((R, D), lambda i: (0, 0)),
        pl.BlockSpec((3, D), lambda i: (0, 0)),
        pl.BlockSpec((D, D), lambda i: (0, 0)),
        pl.BlockSpec((D, D), lambda i: (0, 0)),
        pl.BlockSpec((EMB, D), lambda i: (0, 0)),
        pl.BlockSpec((D, OUT), lambda i: (0, 0)),
        pl.BlockSpec((S, EMB), lambda i: (0, 0)),
    ],
    out_specs=[
        pl.BlockSpec((BLK, D), lambda i: (i, 0)),
        pl.BlockSpec((BLK, OUT), lambda i: (i, 0)),
    ],
    out_shape=[
        jax.ShapeDtypeStruct((N_NODES, D), jnp.float32),
        jax.ShapeDtypeStruct((N_NODES, OUT), jnp.float32),
    ],
)


@jax.jit
def kernel(vectors, node_feats, node_species, radial_embedding, receivers,
           species_embed, W_radial, W_vec, W_msg, W_resid, W_sc, W_read):
    recv_f = lax.bitcast_convert_type(receivers.astype(jnp.int32), jnp.float32)
    vpack = (jnp.stack([vectors[:, k] for k in range(3)], axis=0)
             .reshape(3, N_SHARDS, N_WINDOWS, W_EDGES)
             .transpose(1, 2, 0, 3)
             .reshape(N_SHARDS, N_WINDOWS, 3 * W_EDGES))
    rpack = radial_embedding.reshape(N_SHARDS, N_WINDOWS, R * W_EDGES)
    cpack = recv_f.reshape(N_SHARDS, N_WINDOWS, W_EDGES)
    pack = jnp.concatenate([vpack, rpack, cpack], axis=-1).reshape(-1)
    partials = _get_edge_kernel()(pack)
    seg = partials.reshape(N_GROUPS, N_SHARDS, N_NODES, R).sum(axis=1)
    spc3 = node_species.astype(jnp.int32).reshape(GRID_N, 1, BLK)
    x, readout = _dense_call(node_feats, seg, spc3, W_radial, W_vec,
                             W_msg, W_resid, W_sc, W_read, species_embed)
    return (x, readout)

# --- scband reference (transcript-rebuilt; emitter-appended) ---
"""Pipeline reference for scband-macelayer-71863392797201 (READ-ONLY COPY).

The authoritative reference and input builder live on the scoring server;
editing this copy changes nothing except your own understanding.
"""

import jax, jax.numpy as jnp
import numpy as np

N = 10000
E = 320000
D = 128
R = 8
S = 10
EMB = 64
OUT = 16
AVG_DEG = 32.0


def setup_inputs(seed: int = 0):
    key = jax.random.key(seed)
    ks = jax.random.split(key, 12)
    vectors = jax.random.normal(ks[0], (E, 3), dtype=jnp.float32)
    node_feats = jax.random.normal(ks[1], (N, D), dtype=jnp.float32)
    node_species = jax.random.randint(ks[2], (N,), 0, S)
    radial_embedding = jax.random.normal(ks[3], (E, R), dtype=jnp.float32)
    receivers = jax.random.randint(ks[4], (E,), 0, N)
    species_embed = jax.random.normal(ks[5], (S, EMB), dtype=jnp.float32)
    W_radial = jax.random.normal(ks[6], (R, D), dtype=jnp.float32) / np.sqrt(R)
    W_vec = jax.random.normal(ks[7], (3, D), dtype=jnp.float32) / np.sqrt(3.0)
    W_msg = jax.random.normal(ks[8], (D, D), dtype=jnp.float32) / np.sqrt(D)
    W_resid = jax.random.normal(ks[9], (D, D), dtype=jnp.float32) / np.sqrt(D)
    W_sc = jax.random.normal(ks[10], (EMB, D), dtype=jnp.float32) / np.sqrt(EMB)
    W_read = jax.random.normal(ks[11], (D, OUT), dtype=jnp.float32) / np.sqrt(D)
    return {
        "vectors": vectors,
        "node_feats": node_feats,
        "node_species": node_species,
        "radial_embedding": radial_embedding,
        "receivers": receivers,
        "species_embed": species_embed,
        "W_radial": W_radial,
        "W_vec": W_vec,
        "W_msg": W_msg,
        "W_resid": W_resid,
        "W_sc": W_sc,
        "W_read": W_read,
    }


def reference(vectors, node_feats, node_species, radial_embedding, receivers, species_embed, W_radial, W_vec, W_msg, W_resid, W_sc, W_read):
    # interaction: per-edge message built from gathered node features modulated by
    # a learned function of the radial embedding, plus a directional (edge-vector) term,
    # then scatter-summed onto receiver nodes (MACE-style convolution).
    edge_w = radial_embedding @ W_radial                      # [E, D] radial MLP weights
    norm = jnp.linalg.norm(vectors, axis=-1, keepdims=True) + 1e-9
    u = vectors / norm                                        # unit edge vectors
    gathered = jnp.take(node_feats, receivers, axis=0)        # [E, D] gather
    msg = (gathered + u @ W_vec) * edge_w                     # [E, D]
    agg = jax.ops.segment_sum(msg, receivers, num_segments=N) # [N, D] scatter-add
    x = (agg / AVG_DEG) @ W_msg                               # post-aggregation linear
    # residual branch: Linear(node_feats) added to interaction output
    x = x + node_feats @ W_resid
    # self-connection: species-conditioned gating of node features
    s = jnp.take(species_embed, node_species, axis=0)         # [N, EMB] gather
    x = x * jax.nn.silu(s @ W_sc)
    # readout head
    readout = x @ W_read                                      # [N, OUT]
    return (x, readout)

if __name__ == "__main__":
    import jax
    _d = setup_inputs()
    print(jax.jit(kernel)(*tuple(_d.values())))

</pallas_src>

<mosaic_0001>
#map = affine_map<(d0, d1) -> (0)>
module attributes {stable_mosaic.version = 14 : i64} {
  func.func @_edge_body(%arg0: i32, %arg1: i32, %arg2: memref<3840000xf32, #tpu.memory_space<hbm>>, %arg3: memref<2560000xf32, #tpu.memory_space<hbm>>, %arg4: memref<9600xf32, #tpu.memory_space<vmem>>, %arg5: memref<9600xf32, #tpu.memory_space<vmem>>, %arg6: memref<80000xf32, #tpu.memory_space<vmem>>, %arg7: memref<!tpu.dma_semaphore, #tpu.memory_space<semaphore_mem>>, %arg8: memref<!tpu.dma_semaphore, #tpu.memory_space<semaphore_mem>>) attributes {dimension_semantics = [#tpu.dimension_semantics<core_parallel>, #tpu.dimension_semantics<subcore_parallel>], iteration_bounds = array<i64: 2, 16>, scalar_prefetch = 0 : i64, scratch_operands = 5 : i64, tpu.core_type = #tpu.core_type<sc_vector_subcore>, window_params = [{transform_indices = #map}, {transform_indices = #map}]} {
    %mul3A = arith.constant 16 : i32
    %mul3A_0 = arith.muli %arg0, %mul3A : i32
    %add3A = arith.addi %mul3A_0, %arg1 : i32
    %jit3A = arith.constant 8 : i32
    %div3A = arith.divsi %add3A, %jit3A : i32
    %sign3A = arith.constant 0 : i32
    %sign3A_1 = arith.cmpi sgt, %add3A, %sign3A : i32
    %sign3A_2 = arith.extui %sign3A_1 : i1 to i32
    %sign3A_3 = arith.constant 0 : i32
    %sign3A_4 = arith.cmpi slt, %add3A, %sign3A_3 : i32
    %sign3A_5 = arith.extui %sign3A_4 : i1 to i32
    %sign3A_6 = arith.subi %sign3A_2, %sign3A_5 : i32
    %sign3A_7 = arith.constant 0 : i32
    %sign3A_8 = arith.cmpi sgt, %jit3A, %sign3A_7 : i32
    %sign3A_9 = arith.extui %sign3A_8 : i1 to i32
    %sign3A_10 = arith.constant 0 : i32
    %sign3A_11 = arith.cmpi slt, %jit3A, %sign3A_10 : i32
    %sign3A_12 = arith.extui %sign3A_11 : i1 to i32
    %sign3A_13 = arith.subi %sign3A_9, %sign3A_12 : i32
    %ne3A = arith.cmpi ne, %sign3A_6, %sign3A_13 : i32
    %rem3A = arith.remsi %add3A, %jit3A : i32
    %ne3A_14 = arith.constant 0 : i32
    %ne3A_15 = arith.cmpi ne, %rem3A, %ne3A_14 : i32
    %and3A = arith.andi %ne3A, %ne3A_15 : i1
    %sub3A = arith.constant 1 : i32
    %sub3A_16 = arith.subi %div3A, %sub3A : i32
    %select_n3A = arith.select %and3A, %sub3A_16, %div3A : i32
    %jit3A_17 = arith.constant 8 : i32
    %eq3A = arith.constant 0 : i32
    %eq3A_18 = arith.cmpi eq, %jit3A_17, %eq3A : i32
    %jit3A_19 = arith.constant 1 : i32
    %select_n3A_20 = arith.select %eq3A_18, %jit3A_19, %jit3A_17 : i32
    %rem3A_21 = arith.remsi %add3A, %select_n3A_20 : i32
    %ne3A_22 = arith.constant 0 : i32
    %ne3A_23 = arith.cmpi ne, %rem3A_21, %ne3A_22 : i32
    %lt3A = arith.constant 0 : i32
    %lt3A_24 = arith.cmpi slt, %rem3A_21, %lt3A : i32
    %lt3A_25 = arith.constant 0 : i32
    %lt3A_26 = arith.cmpi slt, %select_n3A_20, %lt3A_25 : i32
    %ne3A_27 = arith.xori %lt3A_24, %lt3A_26 : i1
    %and3A_28 = arith.andi %ne3A_27, %ne3A_23 : i1
    %add3A_29 = arith.addi %rem3A_21, %select_n3A_20 : i32
    %select_n3A_30 = arith.select %and3A_28, %add3A_29, %rem3A_21 : i32
    %broadcast_in_dim3A = arith.constant 0.000000e+00 : f32
    %broadcast_in_dim3A_31 = vector.broadcast %broadcast_in_dim3A : f32 to vector<16xf32>
    %scan3A = arith.constant 0 : i32
    %scan3A_32 = arith.constant 0 : i32
    %scan3A_33 = arith.constant 625 : i32
    %scan3A_34 = arith.addi %scan3A_32, %scan3A_33 : i32
    %scan3A_35 = arith.constant 1 : i32
    scf.for %scan3A_163 = %scan3A_32 to %scan3A_34 step %scan3A_35  : i32 {
      %mul3A_164 = arith.constant 8 : i32
      %mul3A_165 = arith.muli %scan3A_163, %mul3A_164 : i32
      %add3A_166 = arith.constant 0 : i32
      %add3A_167 = arith.addi %mul3A_165, %add3A_166 : i32
      %mul3A_168 = arith.constant 16 : i32
      %mul3A_169 = arith.muli %add3A_167, %mul3A_168 : i32
      %swap3A = arith.index_cast %mul3A_169 : i32 to index
      %swap3A_170 = tpu.vector_load %arg6[%swap3A] {strides = array<i32>} : memref<80000xf32, #tpu.memory_space<vmem>>, vector<16xf32>,
      tpu.vector_store %arg6[%swap3A], %broadcast_in_dim3A_31 {strides = array<i32>} : memref<80000xf32, #tpu.memory_space<vmem>>, vector<16xf32>,
      %mul3A_171 = arith.constant 8 : i32
      %mul3A_172 = arith.muli %scan3A_163, %mul3A_171 : i32
      %add3A_173 = arith.constant 1 : i32
      %add3A_174 = arith.addi %mul3A_172, %add3A_173 : i32
      %mul3A_175 = arith.constant 16 : i32
      %mul3A_176 = arith.muli %add3A_174, %mul3A_175 : i32
      %swap3A_177 = arith.index_cast %mul3A_176 : i32 to index
      %swap3A_178 = tpu.vector_load %arg6[%swap3A_177] {strides = array<i32>} : memref<80000xf32, #tpu.memory_space<vmem>>, vector<16xf32>,
      tpu.vector_store %arg6[%swap3A_177], %broadcast_in_dim3A_31 {strides = array<i32>} : memref<80000xf32, #tpu.memory_space<vmem>>, vector<16xf32>,
      %mul3A_179 = arith.constant 8 : i32
      %mul3A_180 = arith.muli %scan3A_163, %mul3A_179 : i32
      %add3A_181 = arith.constant 2 : i32
      %add3A_182 = arith.addi %mul3A_180, %add3A_181 : i32
      %mul3A_183 = arith.constant 16 : i32
      %mul3A_184 = arith.muli %add3A_182, %mul3A_183 : i32
      %swap3A_185 = arith.index_cast %mul3A_184 : i32 to index
      %swap3A_186 = tpu.vector_load %arg6[%swap3A_185] {strides = array<i32>} : memref<80000xf32, #tpu.memory_space<vmem>>, vector<16xf32>,
      tpu.vector_store %arg6[%swap3A_185], %broadcast_in_dim3A_31 {strides = array<i32>} : memref<80000xf32, #tpu.memory_space<vmem>>, vector<16xf32>,
      %mul3A_187 = arith.constant 8 : i32
      %mul3A_188 = arith.muli %scan3A_163, %mul3A_187 : i32
      %add3A_189 = arith.constant 3 : i32
      %add3A_190 = arith.addi %mul3A_188, %add3A_189 : i32
      %mul3A_191 = arith.constant 16 : i32
      %mul3A_192 = arith.muli %add3A_190, %mul3A_191 : i32
      %swap3A_193 = arith.index_cast %mul3A_192 : i32 to index
      %swap3A_194 = tpu.vector_load %arg6[%swap3A_193] {strides = array<i32>} : memref<80000xf32, #tpu.memory_space<vmem>>, vector<16xf32>,
      tpu.vector_store %arg6[%swap3A_193], %broadcast_in_dim3A_31 {strides = array<i32>} : memref<80000xf32, #tpu.memory_space<vmem>>, vector<16xf32>,
      %mul3A_195 = arith.constant 8 : i32
      %mul3A_196 = arith.muli %scan3A_163, %mul3A_195 : i32
      %add3A_197 = arith.constant 4 : i32
      %add3A_198 = arith.addi %mul3A_196, %add3A_197 : i32
      %mul3A_199 = arith.constant 16 : i32
      %mul3A_200 = arith.muli %add3A_198, %mul3A_199 : i32
      %swap3A_201 = arith.index_cast %mul3A_200 : i32 to index
      %swap3A_202 = tpu.vector_load %arg6[%swap3A_201] {strides = array<i32>} : memref<80000xf32, #tpu.memory_space<vmem>>, vector<16xf32>,
      tpu.vector_store %arg6[%swap3A_201], %broadcast_in_dim3A_31 {strides = array<i32>} : memref<80000xf32, #tpu.memory_space<vmem>>, vector<16xf32>,
      %mul3A_203 = arith.constant 8 : i32
      %mul3A_204 = arith.muli %scan3A_163, %mul3A_203 : i32
      %add3A_205 = arith.constant 5 : i32
      %add3A_206 = arith.addi %mul3A_204, %add3A_205 : i32
      %mul3A_207 = arith.constant 16 : i32
      %mul3A_208 = arith.muli %add3A_206, %mul3A_207 : i32
      %swap3A_209 = arith.index_cast %mul3A_208 : i32 to index
      %swap3A_210 = tpu.vector_load %arg6[%swap3A_209] {strides = array<i32>} : memref<80000xf32, #tpu.memory_space<vmem>>, vector<16xf32>,
      tpu.vector_store %arg6[%swap3A_209], %broadcast_in_dim3A_31 {strides = array<i32>} : memref<80000xf32, #tpu.memory_space<vmem>>, vector<16xf32>,
      %mul3A_211 = arith.constant 8 : i32
      %mul3A_212 = arith.muli %scan3A_163, %mul3A_211 : i32
      %add3A_213 = arith.constant 6 : i32
      %add3A_214 = arith.addi %mul3A_212, %add3A_213 : i32
      %mul3A_215 = arith.constant 16 : i32
      %mul3A_216 = arith.muli %add3A_214, %mul3A_215 : i32
      %swap3A_217 = arith.index_cast %mul3A_216 : i32 to index
      %swap3A_218 = tpu.vector_load %arg6[%swap3A_217] {strides = array<i32>} : memref<80000xf32, #tpu.memory_space<vmem>>, vector<16xf32>,
      tpu.vector_store %arg6[%swap3A_217], %broadcast_in_dim3A_31 {strides = array<i32>} : memref<80000xf32, #tpu.memory_space<vmem>>, vector<16xf32>,
      %mul3A_219 = arith.constant 8 : i32
      %mul3A_220 = arith.muli %scan3A_163, %mul3A_219 : i32
      %add3A_221 = arith.constant 7 : i32
      %add3A_222 = arith.addi %mul3A_220, %add3A_221 : i32
      %mul3A_223 = arith.constant 16 : i32
      %mul3A_224 = arith.muli %add3A_222, %mul3A_223 : i32
      %swap3A_225 = arith.index_cast %mul3A_224 : i32 to index
      %swap3A_226 = tpu.vector_load %arg6[%swap3A_225] {strides = array<i32>} : memref<80000xf32, #tpu.memory_space<vmem>>, vector<16xf32>,
      tpu.vector_store %arg6[%swap3A_225], %broadcast_in_dim3A_31 {strides = array<i32>} : memref<80000xf32, #tpu.memory_space<vmem>>, vector<16xf32>,
    }
    %scan3A_36 = arith.constant 625 : i32
    %iota3A = tpu.iota {dimensions = array<i32: 0>} : vector<16xi32>
    %jit3A_37 = arith.constant 8 : i32
    %eq3A_38 = arith.constant 0 : i32
    %eq3A_39 = arith.cmpi eq, %jit3A_37, %eq3A_38 : i32
    %jit3A_40 = arith.constant 1 : i32
    %select_n3A_41 = arith.select %eq3A_39, %jit3A_40, %jit3A_37 : i32
    %rem3A_42 = vector.broadcast %select_n3A_41 : i32 to vector<16xi32>
    %rem3A_43 = arith.remsi %iota3A, %rem3A_42 : vector<16xi32>
    %ne3A_44 = arith.constant 0 : i32
    %ne3A_45 = vector.broadcast %ne3A_44 : i32 to vector<16xi32>
    %ne3A_46 = arith.cmpi ne, %rem3A_43, %ne3A_45 : vector<16xi32>
    %lt3A_47 = arith.constant 0 : i32
    %lt3A_48 = vector.broadcast %lt3A_47 : i32 to vector<16xi32>
    %lt3A_49 = arith.cmpi slt, %rem3A_43, %lt3A_48 : vector<16xi32>
    %lt3A_50 = arith.constant 0 : i32
    %lt3A_51 = arith.cmpi slt, %select_n3A_41, %lt3A_50 : i32
    %ne3A_52 = vector.broadcast %lt3A_51 : i1 to vector<16xi1>
    %ne3A_53 = vector.broadcast %ne3A_52 : vector<16xi1> to vector<16xi1>
    %ne3A_54 = arith.xori %lt3A_49, %ne3A_53 : vector<16xi1>
    %and3A_55 = arith.andi %ne3A_54, %ne3A_46 : vector<16xi1>
    %add3A_56 = vector.broadcast %select_n3A_41 : i32 to vector<16xi32>
    %add3A_57 = arith.addi %rem3A_43, %add3A_56 : vector<16xi32>
    %select_n3A_58 = arith.select %and3A_55, %add3A_57, %rem3A_43 : vector<16xi1>, vector<16xi32>
    %jit3A_59 = arith.constant 8 : i32
    %div3A_60 = vector.broadcast %jit3A_59 : i32 to vector<16xi32>
    %div3A_61 = arith.divsi %iota3A, %div3A_60 : vector<16xi32>
    %sign3A_62 = arith.constant 0 : i32
    %sign3A_63 = vector.broadcast %sign3A_62 : i32 to vector<16xi32>
    %sign3A_64 = arith.cmpi sgt, %iota3A, %sign3A_63 : vector<16xi32>
    %sign3A_65 = arith.extui %sign3A_64 : vector<16xi1> to vector<16xi32>
    %sign3A_66 = arith.constant 0 : i32
    %sign3A_67 = vector.broadcast %sign3A_66 : i32 to vector<16xi32>
    %sign3A_68 = arith.cmpi slt, %iota3A, %sign3A_67 : vector<16xi32>
    %sign3A_69 = arith.extui %sign3A_68 : vector<16xi1> to vector<16xi32>
    %sign3A_70 = arith.subi %sign3A_65, %sign3A_69 : vector<16xi32>
    %sign3A_71 = arith.constant 0 : i32
    %sign3A_72 = arith.cmpi sgt, %jit3A_59, %sign3A_71 : i32
    %sign3A_73 = arith.extui %sign3A_72 : i1 to i32
    %sign3A_74 = arith.constant 0 : i32
    %sign3A_75 = arith.cmpi slt, %jit3A_59, %sign3A_74 : i32
    %sign3A_76 = arith.extui %sign3A_75 : i1 to i32
    %sign3A_77 = arith.subi %sign3A_73, %sign3A_76 : i32
    %ne3A_78 = vector.broadcast %sign3A_77 : i32 to vector<16xi32>
    %ne3A_79 = arith.cmpi ne, %sign3A_70, %ne3A_78 : vector<16xi32>
    %rem3A_80 = vector.broadcast %jit3A_59 : i32 to vector<16xi32>
    %rem3A_81 = arith.remsi %iota3A, %rem3A_80 : vector<16xi32>
    %ne3A_82 = arith.constant 0 : i32
    %ne3A_83 = vector.broadcast %ne3A_82 : i32 to vector<16xi32>
    %ne3A_84 = arith.cmpi ne, %rem3A_81, %ne3A_83 : vector<16xi32>
    %and3A_85 = arith.andi %ne3A_79, %ne3A_84 : vector<16xi1>
    %sub3A_86 = arith.constant 1 : i32
    %sub3A_87 = vector.broadcast %sub3A_86 : i32 to vector<16xi32>
    %sub3A_88 = arith.subi %div3A_61, %sub3A_87 : vector<16xi32>
    %select_n3A_89 = arith.select %and3A_85, %sub3A_88, %div3A_61 : vector<16xi1>, vector<16xi32>
    %eq3A_90 = arith.constant 0 : i32
    %eq3A_91 = vector.broadcast %eq3A_90 : i32 to vector<16xi32>
    %eq3A_92 = arith.cmpi eq, %select_n3A_89, %eq3A_91 : vector<16xi32>
    %eq3A_93 = arith.constant 1 : i32
    %eq3A_94 = vector.broadcast %eq3A_93 : i32 to vector<16xi32>
    %eq3A_95 = arith.cmpi eq, %select_n3A_89, %eq3A_94 : vector<16xi32>
    %gt3A = arith.constant 0 : i32
    %gt3A_96 = arith.cmpi sgt, %select_n3A, %gt3A : i32
    %sub3A_97 = arith.constant 1 : i32
    %sub3A_98 = arith.subi %select_n3A, %sub3A_97 : i32
    %jit3A_99 = arith.constant 0 : i32
    %select_n3A_100 = arith.select %gt3A_96, %sub3A_98, %jit3A_99 : i32
    %add3A_101 = arith.constant 0 : i32
    %add3A_102 = vector.broadcast %add3A_101 : i32 to vector<16xi32>
    %add3A_103 = arith.addi %select_n3A_89, %add3A_102 : vector<16xi32>
    %add3A_104 = arith.constant 2 : i32
    %add3A_105 = vector.broadcast %add3A_104 : i32 to vector<16xi32>
    %add3A_106 = arith.addi %select_n3A_89, %add3A_105 : vector<16xi32>
    %add3A_107 = arith.constant 4 : i32
    %add3A_108 = vector.broadcast %add3A_107 : i32 to vector<16xi32>
    %add3A_109 = arith.addi %select_n3A_89, %add3A_108 : vector<16xi32>
    %add3A_110 = arith.constant 6 : i32
    %add3A_111 = vector.broadcast %add3A_110 : i32 to vector<16xi32>
    %add3A_112 = arith.addi %select_n3A_89, %add3A_111 : vector<16xi32>
    %add3A_113 = arith.constant 8 : i32
    %add3A_114 = vector.broadcast %add3A_113 : i32 to vector<16xi32>
    %add3A_115 = arith.addi %select_n3A_89, %add3A_114 : vector<16xi32>
    %add3A_116 = arith.constant 10 : i32
    %add3A_117 = vector.broadcast %add3A_116 : i32 to vector<16xi32>
    %add3A_118 = arith.addi %select_n3A_89, %add3A_117 : vector<16xi32>
    %add3A_119 = arith.constant 12 : i32
    %add3A_120 = vector.broadcast %add3A_119 : i32 to vector<16xi32>
    %add3A_121 = arith.addi %select_n3A_89, %add3A_120 : vector<16xi32>
    %add3A_122 = arith.constant 14 : i32
    %add3A_123 = vector.broadcast %add3A_122 : i32 to vector<16xi32>
    %add3A_124 = arith.addi %select_n3A_89, %add3A_123 : vector<16xi32>
    %mul3A_125 = arith.constant 50 : i32
    %mul3A_126 = arith.muli %select_n3A_30, %mul3A_125 : i32
    %add3A_127 = arith.constant 0 : i32
    %add3A_128 = arith.addi %mul3A_126, %add3A_127 : i32
    %mul3A_129 = arith.constant 9600 : i32
    %mul3A_130 = arith.muli %add3A_128, %mul3A_129 : i32
    %dma_start3A = tpu.memref_slice %arg2[%mul3A_130] : memref<3840000xf32, #tpu.memory_space<hbm>> -> memref<9600xf32, #tpu.memory_space<hbm>>
    %dma_start3A_131 = tpu.memref_slice %arg2[%mul3A_130] : memref<3840000xf32, #tpu.memory_space<hbm>> -> memref<9600xf32, #tpu.memory_space<hbm>>
    tpu.enqueue_dma source(%dma_start3A_131 : memref<9600xf32, #tpu.memory_space<hbm>>) target(%arg4 : memref<9600xf32, #tpu.memory_space<vmem>>) target_semaphore(%arg7 : memref<!tpu.dma_semaphore, #tpu.memory_space<semaphore_mem>>)
    %mul3A_132 = arith.constant 50 : i32
    %mul3A_133 = arith.muli %select_n3A_30, %mul3A_132 : i32
    %add3A_134 = arith.constant 1 : i32
    %add3A_135 = arith.addi %mul3A_133, %add3A_134 : i32
    %mul3A_136 = arith.constant 9600 : i32
    %mul3A_137 = arith.muli %add3A_135, %mul3A_136 : i32
    %dma_start3A_138 = tpu.memref_slice %arg2[%mul3A_137] : memref<3840000xf32, #tpu.memory_space<hbm>> -> memref<9600xf32, #tpu.memory_space<hbm>>
    %dma_start3A_139 = tpu.memref_slice %arg2[%mul3A_137] : memref<3840000xf32, #tpu.memory_space<hbm>> -> memref<9600xf32, #tpu.memory_space<hbm>>
    tpu.enqueue_dma source(%dma_start3A_139 : memref<9600xf32, #tpu.memory_space<hbm>>) target(%arg5 : memref<9600xf32, #tpu.memory_space<vmem>>) target_semaphore(%arg8 : memref<!tpu.dma_semaphore, #tpu.memory_space<semaphore_mem>>)
    %scan3A_140 = arith.constant 0 : i32
    %scan3A_141 = arith.constant 0 : i32
    %scan3A_142 = arith.constant 25 : i32
    %scan3A_143 = arith.addi %scan3A_141, %scan3A_142 : i32
    %scan3A_144 = arith.constant 1 : i32
    scf.for %scan3A_163 = %scan3A_141 to %scan3A_143 step %scan3A_144  : i32 {
      %mul3A_164 = arith.constant 2 : i32
      %mul3A_165 = arith.muli %mul3A_164, %scan3A_163 : i32
      %mul3A_166 = arith.constant 50 : i32
      %mul3A_167 = arith.muli %select_n3A_30, %mul3A_166 : i32
      %add3A_168 = arith.addi %mul3A_167, %mul3A_165 : i32
      %mul3A_169 = arith.constant 9600 : i32
      %mul3A_170 = arith.muli %add3A_168, %mul3A_169 : i32
      %dma_wait3A_171 = tpu.memref_slice %arg2[%mul3A_170] : memref<3840000xf32, #tpu.memory_space<hbm>> -> memref<9600xf32, #tpu.memory_space<hbm>>
      %dma_wait3A_172 = tpu.memref_slice %arg2[%mul3A_170] : memref<3840000xf32, #tpu.memory_space<hbm>> -> memref<9600xf32, #tpu.memory_space<hbm>>
      tpu.wait_dma2 semaphore(%arg7 : memref<!tpu.dma_semaphore, #tpu.memory_space<semaphore_mem>>) src(%dma_wait3A_172 : memref<9600xf32, #tpu.memory_space<hbm>>) dst(%arg4 : memref<9600xf32, #tpu.memory_space<vmem>>)
      %scan3A_173 = arith.constant 0 : i32
      %scan3A_174 = arith.constant 0 : i32
      %scan3A_175 = arith.constant 50 : i32
      %scan3A_176 = arith.addi %scan3A_174, %scan3A_175 : i32
      %scan3A_177 = arith.constant 1 : i32
      scf.for %scan3A_217 = %scan3A_174 to %scan3A_176 step %scan3A_177  : i32 {
        %mul3A_218 = arith.constant 16 : i32
        %mul3A_219 = arith.muli %scan3A_217, %mul3A_218 : i32
        %get3A = arith.index_cast %mul3A_219 : i32 to index
        %get3A_220 = tpu.vector_load %arg4[%get3A] {strides = array<i32>} : memref<9600xf32, #tpu.memory_space<vmem>>, vector<16xf32>,
        %add3A_221 = arith.constant 800 : i32
        %add3A_222 = arith.addi %add3A_221, %mul3A_219 : i32
        %get3A_223 = arith.index_cast %add3A_222 : i32 to index
        %get3A_224 = tpu.vector_load %arg4[%get3A_223] {strides = array<i32>} : memref<9600xf32, #tpu.memory_space<vmem>>, vector<16xf32>,
        %add3A_225 = arith.constant 1600 : i32
        %add3A_226 = arith.addi %add3A_225, %mul3A_219 : i32
        %get3A_227 = arith.index_cast %add3A_226 : i32 to index
        %get3A_228 = tpu.vector_load %arg4[%get3A_227] {strides = array<i32>} : memref<9600xf32, #tpu.memory_space<vmem>>, vector<16xf32>,
        %mul3A_229 = arith.mulf %get3A_220, %get3A_220 : vector<16xf32>
        %mul3A_230 = arith.mulf %get3A_224, %get3A_224 : vector<16xf32>
        %add3A_231 = arith.addf %mul3A_229, %mul3A_230 : vector<16xf32>
        %mul3A_232 = arith.mulf %get3A_228, %get3A_228 : vector<16xf32>
        %add3A_233 = arith.addf %add3A_231, %mul3A_232 : vector<16xf32>
        %bitcast3A = vector.bitcast %add3A_233 : vector<16xf32> to vector<16xi32>
        %shift_right_logical3A = arith.constant 1 : i32
        %shift_right_logical3A_234 = vector.broadcast %shift_right_logical3A : i32 to vector<16xi32>
        %shift_right_logical3A_235 = arith.shrui %bitcast3A, %shift_right_logical3A_234 : vector<16xi32>
        %sub3A_236 = arith.constant 1597463007 : i32
        %sub3A_237 = vector.broadcast %sub3A_236 : i32 to vector<16xi32>
        %sub3A_238 = arith.subi %sub3A_237, %shift_right_logical3A_235 : vector<16xi32>
        %bitcast3A_239 = vector.bitcast %sub3A_238 : vector<16xi32> to vector<16xf32>
        %mul3A_240 = arith.constant 5.000000e-01 : f32
        %mul3A_241 = vector.broadcast %mul3A_240 : f32 to vector<16xf32>
        %mul3A_242 = arith.mulf %mul3A_241, %add3A_233 : vector<16xf32>
        %mul3A_243 = arith.mulf %mul3A_242, %bitcast3A_239 : vector<16xf32>
        %mul3A_244 = arith.mulf %mul3A_243, %bitcast3A_239 : vector<16xf32>
        %sub3A_245 = arith.constant 1.500000e+00 : f32
        %sub3A_246 = vector.broadcast %sub3A_245 : f32 to vector<16xf32>
        %sub3A_247 = arith.subf %sub3A_246, %mul3A_244 : vector<16xf32>
        %mul3A_248 = arith.mulf %bitcast3A_239, %sub3A_247 : vector<16xf32>
        %mul3A_249 = arith.constant 5.000000e-01 : f32
        %mul3A_250 = vector.broadcast %mul3A_249 : f32 to vector<16xf32>
        %mul3A_251 = arith.mulf %mul3A_250, %add3A_233 : vector<16xf32>
        %mul3A_252 = arith.mulf %mul3A_251, %mul3A_248 : vector<16xf32>
        %mul3A_253 = arith.mulf %mul3A_252, %mul3A_248 : vector<16xf32>
        %sub3A_254 = arith.constant 1.500000e+00 : f32
        %sub3A_255 = vector.broadcast %sub3A_254 : f32 to vector<16xf32>
        %sub3A_256 = arith.subf %sub3A_255, %mul3A_253 : vector<16xf32>
        %mul3A_257 = arith.mulf %mul3A_248, %sub3A_256 : vector<16xf32>
        %mul3A_258 = arith.constant 5.000000e-01 : f32
        %mul3A_259 = vector.broadcast %mul3A_258 : f32 to vector<16xf32>
        %mul3A_260 = arith.mulf %mul3A_259, %add3A_233 : vector<16xf32>
        %mul3A_261 = arith.mulf %mul3A_260, %mul3A_257 : vector<16xf32>
        %mul3A_262 = arith.mulf %mul3A_261, %mul3A_257 : vector<16xf32>
        %sub3A_263 = arith.constant 1.500000e+00 : f32
        %sub3A_264 = vector.broadcast %sub3A_263 : f32 to vector<16xf32>
        %sub3A_265 = arith.subf %sub3A_264, %mul3A_262 : vector<16xf32>
        %mul3A_266 = arith.mulf %mul3A_257, %sub3A_265 : vector<16xf32>
        %eq3A_267 = arith.constant 0 : i32
        %eq3A_268 = arith.cmpi eq, %select_n3A_100, %eq3A_267 : i32
        %eq3A_269 = arith.constant 1 : i32
        %eq3A_270 = arith.cmpi eq, %select_n3A_100, %eq3A_269 : i32
        %select_n3A_271 = arith.select %eq3A_270, %get3A_224, %get3A_228 : vector<16xf32>
        %select_n3A_272 = arith.select %eq3A_268, %get3A_220, %select_n3A_271 : vector<16xf32>
        %mul3A_273 = arith.mulf %select_n3A_272, %mul3A_266 : vector<16xf32>
        %jit3A_274 = arith.constant 1.000000e+00 : f32
        %broadcast_in_dim3A_275 = vector.broadcast %jit3A_274 : f32 to vector<16xf32>
        %select_n3A_276 = arith.select %gt3A_96, %mul3A_273, %broadcast_in_dim3A_275 : vector<16xf32>
        %add3A_277 = arith.constant 8800 : i32
        %add3A_278 = arith.addi %add3A_277, %mul3A_219 : i32
        %get3A_279 = arith.index_cast %add3A_278 : i32 to index
        %get3A_280 = tpu.vector_load %arg4[%get3A_279] {strides = array<i32>} : memref<9600xf32, #tpu.memory_space<vmem>>, vector<16xf32>,
        %bitcast3A_281 = vector.bitcast %get3A_280 : vector<16xf32> to vector<16xi32>
        %mul3A_282 = arith.constant 8 : i32
        %mul3A_283 = vector.broadcast %mul3A_282 : i32 to vector<16xi32>
        %mul3A_284 = arith.muli %bitcast3A_281, %mul3A_283 : vector<16xi32>
        %add3A_285 = arith.constant 0 : i32
        %add3A_286 = arith.addi %mul3A_219, %add3A_285 : i32
        %mul3A_287 = arith.constant 8 : i32
        %mul3A_288 = arith.muli %add3A_286, %mul3A_287 : i32
        %add3A_289 = arith.constant 2400 : i32
        %add3A_290 = arith.addi %add3A_289, %mul3A_288 : i32
        %get3A_291 = arith.index_cast %add3A_290 : i32 to index
        %get3A_292 = tpu.vector_load %arg4[%get3A_291] {strides = array<i32>} : memref<9600xf32, #tpu.memory_space<vmem>>, vector<16xf32>,
        %lt3A_293 = arith.constant 0 : i32
        %lt3A_294 = vector.broadcast %lt3A_293 : i32 to vector<16xi32>
        %lt3A_295 = arith.cmpi slt, %add3A_103, %lt3A_294 : vector<16xi32>
        %add3A_296 = arith.constant 16 : i32
        %add3A_297 = vector.broadcast %add3A_296 : i32 to vector<16xi32>
        %add3A_298 = arith.addi %add3A_103, %add3A_297 : vector<16xi32>
        %select_n3A_299 = arith.select %lt3A_295, %add3A_298, %add3A_103 : vector<16xi1>, vector<16xi32>
        %broadcast_in_dim3A_300 = vector.shape_cast %select_n3A_299 : vector<16xi32> to vector<16x1xi32>
        %gather3A = vector.shape_cast %broadcast_in_dim3A_300 : vector<16x1xi32> to vector<16xi32>
        %gather3A_301 = tpu.dynamic_gather %select_n3A_276[%gather3A] in [0] : vector<16xf32>, vector<16xi32> -> vector<16xf32>
        %lt3A_302 = arith.constant 0 : i32
        %lt3A_303 = vector.broadcast %lt3A_302 : i32 to vector<16xi32>
        %lt3A_304 = arith.cmpi slt, %add3A_103, %lt3A_303 : vector<16xi32>
        %add3A_305 = arith.constant 16 : i32
        %add3A_306 = vector.broadcast %add3A_305 : i32 to vector<16xi32>
        %add3A_307 = arith.addi %add3A_103, %add3A_306 : vector<16xi32>
        %select_n3A_308 = arith.select %lt3A_304, %add3A_307, %add3A_103 : vector<16xi1>, vector<16xi32>
        %broadcast_in_dim3A_309 = vector.shape_cast %select_n3A_308 : vector<16xi32> to vector<16x1xi32>
        %gather3A_310 = vector.shape_cast %broadcast_in_dim3A_309 : vector<16x1xi32> to vector<16xi32>
        %gather3A_311 = tpu.dynamic_gather %mul3A_284[%gather3A_310] in [0] : vector<16xi32>, vector<16xi32> -> vector<16xi32>
        %mul3A_312 = arith.mulf %get3A_292, %gather3A_301 : vector<16xf32>
        %add3A_313 = arith.addi %gather3A_311, %select_n3A_58 : vector<16xi32>
        tpu.vector_store_idx %arg6[%add3A_313], %mul3A_312 masked %eq3A_92 {add = true} : memref<80000xf32, #tpu.memory_space<vmem>>[vector<16xi32>], vector<16xf32>, vector<16xi1>
        tpu.vector_store_idx %arg6[%add3A_313], %mul3A_312 masked %eq3A_95 {add = true} : memref<80000xf32, #tpu.memory_space<vmem>>[vector<16xi32>], vector<16xf32>, vector<16xi1>
        %add3A_314 = arith.constant 2 : i32
        %add3A_315 = arith.addi %mul3A_219, %add3A_314 : i32
        %mul3A_316 = arith.constant 8 : i32
        %mul3A_317 = arith.muli %add3A_315, %mul3A_316 : i32
        %add3A_318 = arith.constant 2400 : i32
        %add3A_319 = arith.addi %add3A_318, %mul3A_317 : i32
        %get3A_320 = arith.index_cast %add3A_319 : i32 to index
        %get3A_321 = tpu.vector_load %arg4[%get3A_320] {strides = array<i32>} : memref<9600xf32, #tpu.memory_space<vmem>>, vector<16xf32>,
        %lt3A_322 = arith.constant 0 : i32
        %lt3A_323 = vector.broadcast %lt3A_322 : i32 to vector<16xi32>
        %lt3A_324 = arith.cmpi slt, %add3A_106, %lt3A_323 : vector<16xi32>
        %add3A_325 = arith.constant 16 : i32
        %add3A_326 = vector.broadcast %add3A_325 : i32 to vector<16xi32>
        %add3A_327 = arith.addi %add3A_106, %add3A_326 : vector<16xi32>
        %select_n3A_328 = arith.select %lt3A_324, %add3A_327, %add3A_106 : vector<16xi1>, vector<16xi32>
        %broadcast_in_dim3A_329 = vector.shape_cast %select_n3A_328 : vector<16xi32> to vector<16x1xi32>
        %gather3A_330 = vector.shape_cast %broadcast_in_dim3A_329 : vector<16x1xi32> to vector<16xi32>
        %gather3A_331 = tpu.dynamic_gather %select_n3A_276[%gather3A_330] in [0] : vector<16xf32>, vector<16xi32> -> vector<16xf32>
        %lt3A_332 = arith.constant 0 : i32
        %lt3A_333 = vector.broadcast %lt3A_332 : i32 to vector<16xi32>
        %lt3A_334 = arith.cmpi slt, %add3A_106, %lt3A_333 : vector<16xi32>
        %add3A_335 = arith.constant 16 : i32
        %add3A_336 = vector.broadcast %add3A_335 : i32 to vector<16xi32>
        %add3A_337 = arith.addi %add3A_106, %add3A_336 : vector<16xi32>
        %select_n3A_338 = arith.select %lt3A_334, %add3A_337, %add3A_106 : vector<16xi1>, vector<16xi32>
        %broadcast_in_dim3A_339 = vector.shape_cast %select_n3A_338 : vector<16xi32> to vector<16x1xi32>
        %gather3A_340 = vector.shape_cast %broadcast_in_dim3A_339 : vector<16x1xi32> to vector<16xi32>
        %gather3A_341 = tpu.dynamic_gather %mul3A_284[%gather3A_340] in [0] : vector<16xi32>, vector<16xi32> -> vector<16xi32>
        %mul3A_342 = arith.mulf %get3A_321, %gather3A_331 : vector<16xf32>
        %add3A_343 = arith.addi %gather3A_341, %select_n3A_58 : vector<16xi32>
        tpu.vector_store_idx %arg6[%add3A_343], %mul3A_342 masked %eq3A_92 {add = true} : memref<80000xf32, #tpu.memory_space<vmem>>[vector<16xi32>], vector<16xf32>, vector<16xi1>
        tpu.vector_store_idx %arg6[%add3A_343], %mul3A_342 masked %eq3A_95 {add = true} : memref<80000xf32, #tpu.memory_space<vmem>>[vector<16xi32>], vector<16xf32>, vector<16xi1>
        %add3A_344 = arith.constant 4 : i32
        %add3A_345 = arith.addi %mul3A_219, %add3A_344 : i32
        %mul3A_346 = arith.constant 8 : i32
        %mul3A_347 = arith.muli %add3A_345, %mul3A_346 : i32
        %add3A_348 = arith.constant 2400 : i32
        %add3A_349 = arith.addi %add3A_348, %mul3A_347 : i32
        %get3A_350 = arith.index_cast %add3A_349 : i32 to index
        %get3A_351 = tpu.vector_load %arg4[%get3A_350] {strides = array<i32>} : memref<9600xf32, #tpu.memory_space<vmem>>, vector<16xf32>,
        %lt3A_352 = arith.constant 0 : i32
        %lt3A_353 = vector.broadcast %lt3A_352 : i32 to vector<16xi32>
        %lt3A_354 = arith.cmpi slt, %add3A_109, %lt3A_353 : vector<16xi32>
        %add3A_355 = arith.constant 16 : i32
        %add3A_356 = vector.broadcast %add3A_355 : i32 to vector<16xi32>
        %add3A_357 = arith.addi %add3A_109, %add3A_356 : vector<16xi32>
        %select_n3A_358 = arith.select %lt3A_354, %add3A_357, %add3A_109 : vector<16xi1>, vector<16xi32>
        %broadcast_in_dim3A_359 = vector.shape_cast %select_n3A_358 : vector<16xi32> to vector<16x1xi32>
        %gather3A_360 = vector.shape_cast %broadcast_in_dim3A_359 : vector<16x1xi32> to vector<16xi32>
        %gather3A_361 = tpu.dynamic_gather %select_n3A_276[%gather3A_360] in [0] : vector<16xf32>, vector<16xi32> -> vector<16xf32>
        %lt3A_362 = arith.constant 0 : i32
        %lt3A_363 = vector.broadcast %lt3A_362 : i32 to vector<16xi32>
        %lt3A_364 = arith.cmpi slt, %add3A_109, %lt3A_363 : vector<16xi32>
        %add3A_365 = arith.constant 16 : i32
        %add3A_366 = vector.broadcast %add3A_365 : i32 to vector<16xi32>
        %add3A_367 = arith.addi %add3A_109, %add3A_366 : vector<16xi32>
        %select_n3A_368 = arith.select %lt3A_364, %add3A_367, %add3A_109 : vector<16xi1>, vector<16xi32>
        %broadcast_in_dim3A_369 = vector.shape_cast %select_n3A_368 : vector<16xi32> to vector<16x1xi32>
        %gather3A_370 = vector.shape_cast %broadcast_in_dim3A_369 : vector<16x1xi32> to vector<16xi32>
        %gather3A_371 = tpu.dynamic_gather %mul3A_284[%gather3A_370] in [0] : vector<16xi32>, vector<16xi32> -> vector<16xi32>
        %mul3A_372 = arith.mulf %get3A_351, %gather3A_361 : vector<16xf32>
        %add3A_373 = arith.addi %gather3A_371, %select_n3A_58 : vector<16xi32>
        tpu.vector_store_idx %arg6[%add3A_373], %mul3A_372 masked %eq3A_92 {add = true} : memref<80000xf32, #tpu.memory_space<vmem>>[vector<16xi32>], vector<16xf32>, vector<16xi1>
        tpu.vector_store_idx %arg6[%add3A_373], %mul3A_372 masked %eq3A_95 {add = true} : memref<80000xf32, #tpu.memory_space<vmem>>[vector<16xi32>], vector<16xf32>, vector<16xi1>
        %add3A_374 = arith.constant 6 : i32
        %add3A_375 = arith.addi %mul3A_219, %add3A_374 : i32
        %mul3A_376 = arith.constant 8 : i32
        %mul3A_377 = arith.muli %add3A_375, %mul3A_376 : i32
        %add3A_378 = arith.constant 2400 : i32
        %add3A_379 = arith.addi %add3A_378, %mul3A_377 : i32
        %get3A_380 = arith.index_cast %add3A_379 : i32 to index
        %get3A_381 = tpu.vector_load %arg4[%get3A_380] {strides = array<i32>} : memref<9600xf32, #tpu.memory_space<vmem>>, vector<16xf32>,
        %lt3A_382 = arith.constant 0 : i32
        %lt3A_383 = vector.broadcast %lt3A_382 : i32 to vector<16xi32>
        %lt3A_384 = arith.cmpi slt, %add3A_112, %lt3A_383 : vector<16xi32>
        %add3A_385 = arith.constant 16 : i32
        %add3A_386 = vector.broadcast %add3A_385 : i32 to vector<16xi32>
        %add3A_387 = arith.addi %add3A_112, %add3A_386 : vector<16xi32>
        %select_n3A_388 = arith.select %lt3A_384, %add3A_387, %add3A_112 : vector<16xi1>, vector<16xi32>
        %broadcast_in_dim3A_389 = vector.shape_cast %select_n3A_388 : vector<16xi32> to vector<16x1xi32>
        %gather3A_390 = vector.shape_cast %broadcast_in_dim3A_389 : vector<16x1xi32> to vector<16xi32>
        %gather3A_391 = tpu.dynamic_gather %select_n3A_276[%gather3A_390] in [0] : vector<16xf32>, vector<16xi32> -> vector<16xf32>
        %lt3A_392 = arith.constant 0 : i32
        %lt3A_393 = vector.broadcast %lt3A_392 : i32 to vector<16xi32>
        %lt3A_394 = arith.cmpi slt, %add3A_112, %lt3A_393 : vector<16xi32>
        %add3A_395 = arith.constant 16 : i32
        %add3A_396 = vector.broadcast %add3A_395 : i32 to vector<16xi32>
        %add3A_397 = arith.addi %add3A_112, %add3A_396 : vector<16xi32>
        %select_n3A_398 = arith.select %lt3A_394, %add3A_397, %add3A_112 : vector<16xi1>, vector<16xi32>
        %broadcast_in_dim3A_399 = vector.shape_cast %select_n3A_398 : vector<16xi32> to vector<16x1xi32>
        %gather3A_400 = vector.shape_cast %broadcast_in_dim3A_399 : vector<16x1xi32> to vector<16xi32>
        %gather3A_401 = tpu.dynamic_gather %mul3A_284[%gather3A_400] in [0] : vector<16xi32>, vector<16xi32> -> vector<16xi32>
        %mul3A_402 = arith.mulf %get3A_381, %gather3A_391 : vector<16xf32>
        %add3A_403 = arith.addi %gather3A_401, %select_n3A_58 : vector<16xi32>
        tpu.vector_store_idx %arg6[%add3A_403], %mul3A_402 masked %eq3A_92 {add = true} : memref<80000xf32, #tpu.memory_space<vmem>>[vector<16xi32>], vector<16xf32>, vector<16xi1>
        tpu.vector_store_idx %arg6[%add3A_403], %mul3A_402 masked %eq3A_95 {add = true} : memref<80000xf32, #tpu.memory_space<vmem>>[vector<16xi32>], vector<16xf32>, vector<16xi1>
        %add3A_404 = arith.constant 8 : i32
        %add3A_405 = arith.addi %mul3A_219, %add3A_404 : i32
        %mul3A_406 = arith.constant 8 : i32
        %mul3A_407 = arith.muli %add3A_405, %mul3A_406 : i32
        %add3A_408 = arith.constant 2400 : i32
        %add3A_409 = arith.addi %add3A_408, %mul3A_407 : i32
        %get3A_410 = arith.index_cast %add3A_409 : i32 to index
        %get3A_411 = tpu.vector_load %arg4[%get3A_410] {strides = array<i32>} : memref<9600xf32, #tpu.memory_space<vmem>>, vector<16xf32>,
        %lt3A_412 = arith.constant 0 : i32
        %lt3A_413 = vector.broadcast %lt3A_412 : i32 to vector<16xi32>
        %lt3A_414 = arith.cmpi slt, %add3A_115, %lt3A_413 : vector<16xi32>
        %add3A_415 = arith.constant 16 : i32
        %add3A_416 = vector.broadcast %add3A_415 : i32 to vector<16xi32>
        %add3A_417 = arith.addi %add3A_115, %add3A_416 : vector<16xi32>
        %select_n3A_418 = arith.select %lt3A_414, %add3A_417, %add3A_115 : vector<16xi1>, vector<16xi32>
        %broadcast_in_dim3A_419 = vector.shape_cast %select_n3A_418 : vector<16xi32> to vector<16x1xi32>
        %gather3A_420 = vector.shape_cast %broadcast_in_dim3A_419 : vector<16x1xi32> to vector<16xi32>
        %gather3A_421 = tpu.dynamic_gather %select_n3A_276[%gather3A_420] in [0] : vector<16xf32>, vector<16xi32> -> vector<16xf32>
        %lt3A_422 = arith.constant 0 : i32
        %lt3A_423 = vector.broadcast %lt3A_422 : i32 to vector<16xi32>
        %lt3A_424 = arith.cmpi slt, %add3A_115, %lt3A_423 : vector<16xi32>
        %add3A_425 = arith.constant 16 : i32
        %add3A_426 = vector.broadcast %add3A_425 : i32 to vector<16xi32>
        %add3A_427 = arith.addi %add3A_115, %add3A_426 : vector<16xi32>
        %select_n3A_428 = arith.select %lt3A_424, %add3A_427, %add3A_115 : vector<16xi1>, vector<16xi32>
        %broadcast_in_dim3A_429 = vector.shape_cast %select_n3A_428 : vector<16xi32> to vector<16x1xi32>
        %gather3A_430 = vector.shape_cast %broadcast_in_dim3A_429 : vector<16x1xi32> to vector<16xi32>
        %gather3A_431 = tpu.dynamic_gather %mul3A_284[%gather3A_430] in [0] : vector<16xi32>, vector<16xi32> -> vector<16xi32>
        %mul3A_432 = arith.mulf %get3A_411, %gather3A_421 : vector<16xf32>
        %add3A_433 = arith.addi %gather3A_431, %select_n3A_58 : vector<16xi32>
        tpu.vector_store_idx %arg6[%add3A_433], %mul3A_432 masked %eq3A_92 {add = true} : memref<80000xf32, #tpu.memory_space<vmem>>[vector<16xi32>], vector<16xf32>, vector<16xi1>
        tpu.vector_store_idx %arg6[%add3A_433], %mul3A_432 masked %eq3A_95 {add = true} : memref<80000xf32, #tpu.memory_space<vmem>>[vector<16xi32>], vector<16xf32>, vector<16xi1>
        %add3A_434 = arith.constant 10 : i32
        %add3A_435 = arith.addi %mul3A_219, %add3A_434 : i32
        %mul3A_436 = arith.constant 8 : i32
        %mul3A_437 = arith.muli %add3A_435, %mul3A_436 : i32
        %add3A_438 = arith.constant 2400 : i32
        %add3A_439 = arith.addi %add3A_438, %mul3A_437 : i32
        %get3A_440 = arith.index_cast %add3A_439 : i32 to index
        %get3A_441 = tpu.vector_load %arg4[%get3A_440] {strides = array<i32>} : memref<9600xf32, #tpu.memory_space<vmem>>, vector<16xf32>,
        %lt3A_442 = arith.constant 0 : i32
        %lt3A_443 = vector.broadcast %lt3A_442 : i32 to vector<16xi32>
        %lt3A_444 = arith.cmpi slt, %add3A_118, %lt3A_443 : vector<16xi32>
        %add3A_445 = arith.constant 16 : i32
        %add3A_446 = vector.broadcast %add3A_445 : i32 to vector<16xi32>
        %add3A_447 = arith.addi %add3A_118, %add3A_446 : vector<16xi32>
        %select_n3A_448 = arith.select %lt3A_444, %add3A_447, %add3A_118 : vector<16xi1>, vector<16xi32>
        %broadcast_in_dim3A_449 = vector.shape_cast %select_n3A_448 : vector<16xi32> to vector<16x1xi32>
        %gather3A_450 = vector.shape_cast %broadcast_in_dim3A_449 : vector<16x1xi32> to vector<16xi32>
        %gather3A_451 = tpu.dynamic_gather %select_n3A_276[%gather3A_450] in [0] : vector<16xf32>, vector<16xi32> -> vector<16xf32>
        %lt3A_452 = arith.constant 0 : i32
        %lt3A_453 = vector.broadcast %lt3A_452 : i32 to vector<16xi32>
        %lt3A_454 = arith.cmpi slt, %add3A_118, %lt3A_453 : vector<16xi32>
        %add3A_455 = arith.constant 16 : i32
        %add3A_456 = vector.broadcast %add3A_455 : i32 to vector<16xi32>
        %add3A_457 = arith.addi %add3A_118, %add3A_456 : vector<16xi32>
        %select_n3A_458 = arith.select %lt3A_454, %add3A_457, %add3A_118 : vector<16xi1>, vector<16xi32>
        %broadcast_in_dim3A_459 = vector.shape_cast %select_n3A_458 : vector<16xi32> to vector<16x1xi32>
        %gather3A_460 = vector.shape_cast %broadcast_in_dim3A_459 : vector<16x1xi32> to vector<16xi32>
        %gather3A_461 = tpu.dynamic_gather %mul3A_284[%gather3A_460] in [0] : vector<16xi32>, vector<16xi32> -> vector<16xi32>
        %mul3A_462 = arith.mulf %get3A_441, %gather3A_451 : vector<16xf32>
        %add3A_463 = arith.addi %gather3A_461, %select_n3A_58 : vector<16xi32>
        tpu.vector_store_idx %arg6[%add3A_463], %mul3A_462 masked %eq3A_92 {add = true} : memref<80000xf32, #tpu.memory_space<vmem>>[vector<16xi32>], vector<16xf32>, vector<16xi1>
        tpu.vector_store_idx %arg6[%add3A_463], %mul3A_462 masked %eq3A_95 {add = true} : memref<80000xf32, #tpu.memory_space<vmem>>[vector<16xi32>], vector<16xf32>, vector<16xi1>
        %add3A_464 = arith.constant 12 : i32
        %add3A_465 = arith.addi %mul3A_219, %add3A_464 : i32
        %mul3A_466 = arith.constant 8 : i32
        %mul3A_467 = arith.muli %add3A_465, %mul3A_466 : i32
        %add3A_468 = arith.constant 2400 : i32
        %add3A_469 = arith.addi %add3A_468, %mul3A_467 : i32
        %get3A_470 = arith.index_cast %add3A_469 : i32 to index
        %get3A_471 = tpu.vector_load %arg4[%get3A_470] {strides = array<i32>} : memref<9600xf32, #tpu.memory_space<vmem>>, vector<16xf32>,
        %lt3A_472 = arith.constant 0 : i32
        %lt3A_473 = vector.broadcast %lt3A_472 : i32 to vector<16xi32>
        %lt3A_474 = arith.cmpi slt, %add3A_121, %lt3A_473 : vector<16xi32>
        %add3A_475 = arith.constant 16 : i32
        %add3A_476 = vector.broadcast %add3A_475 : i32 to vector<16xi32>
        %add3A_477 = arith.addi %add3A_121, %add3A_476 : vector<16xi32>
        %select_n3A_478 = arith.select %lt3A_474, %add3A_477, %add3A_121 : vector<16xi1>, vector<16xi32>
        %broadcast_in_dim3A_479 = vector.shape_cast %select_n3A_478 : vector<16xi32> to vector<16x1xi32>
        %gather3A_480 = vector.shape_cast %broadcast_in_dim3A_479 : vector<16x1xi32> to vector<16xi32>
        %gather3A_481 = tpu.dynamic_gather %select_n3A_276[%gather3A_480] in [0] : vector<16xf32>, vector<16xi32> -> vector<16xf32>
        %lt3A_482 = arith.constant 0 : i32
        %lt3A_483 = vector.broadcast %lt3A_482 : i32 to vector<16xi32>
        %lt3A_484 = arith.cmpi slt, %add3A_121, %lt3A_483 : vector<16xi32>
        %add3A_485 = arith.constant 16 : i32
        %add3A_486 = vector.broadcast %add3A_485 : i32 to vector<16xi32>
        %add3A_487 = arith.addi %add3A_121, %add3A_486 : vector<16xi32>
        %select_n3A_488 = arith.select %lt3A_484, %add3A_487, %add3A_121 : vector<16xi1>, vector<16xi32>
        %broadcast_in_dim3A_489 = vector.shape_cast %select_n3A_488 : vector<16xi32> to vector<16x1xi32>
        %gather3A_490 = vector.shape_cast %broadcast_in_dim3A_489 : vector<16x1xi32> to vector<16xi32>
        %gather3A_491 = tpu.dynamic_gather %mul3A_284[%gather3A_490] in [0] : vector<16xi32>, vector<16xi32> -> vector<16xi32>
        %mul3A_492 = arith.mulf %get3A_471, %gather3A_481 : vector<16xf32>
        %add3A_493 = arith.addi %gather3A_491, %select_n3A_58 : vector<16xi32>
        tpu.vector_store_idx %arg6[%add3A_493], %mul3A_492 masked %eq3A_92 {add = true} : memref<80000xf32, #tpu.memory_space<vmem>>[vector<16xi32>], vector<16xf32>, vector<16xi1>
        tpu.vector_store_idx %arg6[%add3A_493], %mul3A_492 masked %eq3A_95 {add = true} : memref<80000xf32, #tpu.memory_space<vmem>>[vector<16xi32>], vector<16xf32>, vector<16xi1>
        %add3A_494 = arith.constant 14 : i32
        %add3A_495 = arith.addi %mul3A_219, %add3A_494 : i32
        %mul3A_496 = arith.constant 8 : i32
        %mul3A_497 = arith.muli %add3A_495, %mul3A_496 : i32
        %add3A_498 = arith.constant 2400 : i32
        %add3A_499 = arith.addi %add3A_498, %mul3A_497 : i32
        %get3A_500 = arith.index_cast %add3A_499 : i32 to index
        %get3A_501 = tpu.vector_load %arg4[%get3A_500] {strides = array<i32>} : memref<9600xf32, #tpu.memory_space<vmem>>, vector<16xf32>,
        %lt3A_502 = arith.constant 0 : i32
        %lt3A_503 = vector.broadcast %lt3A_502 : i32 to vector<16xi32>
        %lt3A_504 = arith.cmpi slt, %add3A_124, %lt3A_503 : vector<16xi32>
        %add3A_505 = arith.constant 16 : i32
        %add3A_506 = vector.broadcast %add3A_505 : i32 to vector<16xi32>
        %add3A_507 = arith.addi %add3A_124, %add3A_506 : vector<16xi32>
        %select_n3A_508 = arith.select %lt3A_504, %add3A_507, %add3A_124 : vector<16xi1>, vector<16xi32>
        %broadcast_in_dim3A_509 = vector.shape_cast %select_n3A_508 : vector<16xi32> to vector<16x1xi32>
        %gather3A_510 = vector.shape_cast %broadcast_in_dim3A_509 : vector<16x1xi32> to vector<16xi32>
        %gather3A_511 = tpu.dynamic_gather %select_n3A_276[%gather3A_510] in [0] : vector<16xf32>, vector<16xi32> -> vector<16xf32>
        %lt3A_512 = arith.constant 0 : i32
        %lt3A_513 = vector.broadcast %lt3A_512 : i32 to vector<16xi32>
        %lt3A_514 = arith.cmpi slt, %add3A_124, %lt3A_513 : vector<16xi32>
        %add3A_515 = arith.constant 16 : i32
        %add3A_516 = vector.broadcast %add3A_515 : i32 to vector<16xi32>
        %add3A_517 = arith.addi %add3A_124, %add3A_516 : vector<16xi32>
        %select_n3A_518 = arith.select %lt3A_514, %add3A_517, %add3A_124 : vector<16xi1>, vector<16xi32>
        %broadcast_in_dim3A_519 = vector.shape_cast %select_n3A_518 : vector<16xi32> to vector<16x1xi32>
        %gather3A_520 = vector.shape_cast %broadcast_in_dim3A_519 : vector<16x1xi32> to vector<16xi32>
        %gather3A_521 = tpu.dynamic_gather %mul3A_284[%gather3A_520] in [0] : vector<16xi32>, vector<16xi32> -> vector<16xi32>
        %mul3A_522 = arith.mulf %get3A_501, %gather3A_511 : vector<16xf32>
        %add3A_523 = arith.addi %gather3A_521, %select_n3A_58 : vector<16xi32>
        tpu.vector_store_idx %arg6[%add3A_523], %mul3A_522 masked %eq3A_92 {add = true} : memref<80000xf32, #tpu.memory_space<vmem>>[vector<16xi32>], vector<16xf32>, vector<16xi1>
        tpu.vector_store_idx %arg6[%add3A_523], %mul3A_522 masked %eq3A_95 {add = true} : memref<80000xf32, #tpu.memory_space<vmem>>[vector<16xi32>], vector<16xf32>, vector<16xi1>
      }
      %scan3A_178 = arith.constant 50 : i32
      %add3A_179 = arith.constant 2 : i32
      %add3A_180 = arith.addi %mul3A_165, %add3A_179 : i32
      %min3A = arith.constant 49 : i32
      %min3A_181 = arith.minsi %add3A_180, %min3A : i32
      %mul3A_182 = arith.constant 50 : i32
      %mul3A_183 = arith.muli %select_n3A_30, %mul3A_182 : i32
      %add3A_184 = arith.addi %mul3A_183, %min3A_181 : i32
      %mul3A_185 = arith.constant 9600 : i32
      %mul3A_186 = arith.muli %add3A_184, %mul3A_185 : i32
      %dma_start3A_187 = tpu.memref_slice %arg2[%mul3A_186] : memref<3840000xf32, #tpu.memory_space<hbm>> -> memref<9600xf32, #tpu.memory_space<hbm>>
      %dma_start3A_188 = tpu.memref_slice %arg2[%mul3A_186] : memref<3840000xf32, #tpu.memory_space<hbm>> -> memref<9600xf32, #tpu.memory_space<hbm>>
      tpu.enqueue_dma source(%dma_start3A_188 : memref<9600xf32, #tpu.memory_space<hbm>>) target(%arg4 : memref<9600xf32, #tpu.memory_space<vmem>>) target_semaphore(%arg7 : memref<!tpu.dma_semaphore, #tpu.memory_space<semaphore_mem>>)
      %add3A_189 = arith.constant 1 : i32
      %add3A_190 = arith.addi %mul3A_165, %add3A_189 : i32
      %mul3A_191 = arith.constant 50 : i32
      %mul3A_192 = arith.muli %select_n3A_30, %mul3A_191 : i32
      %add3A_193 = arith.addi %mul3A_192, %add3A_190 : i32
      %mul3A_194 = arith.constant 9600 : i32
      %mul3A_195 = arith.muli %add3A_193, %mul3A_194 : i32
      %dma_wait3A_196 = tpu.memref_slice %arg2[%mul3A_195] : memref<3840000xf32, #tpu.memory_space<hbm>> -> memref<9600xf32, #tpu.memory_space<hbm>>
      %dma_wait3A_197 = tpu.memref_slice %arg2[%mul3A_195] : memref<3840000xf32, #tpu.memory_space<hbm>> -> memref<9600xf32, #tpu.memory_space<hbm>>
      tpu.wait_dma2 semaphore(%arg8 : memref<!tpu.dma_semaphore, #tpu.memory_space<semaphore_mem>>) src(%dma_wait3A_197 : memref<9600xf32, #tpu.memory_space<hbm>>) dst(%arg5 : memref<9600xf32, #tpu.memory_space<vmem>>)
      %add3A_198 = arith.constant 1 : i32
      %add3A_199 = arith.addi %mul3A_165, %add3A_198 : i32
      %scan3A_200 = arith.constant 0 : i32
      %scan3A_201 = arith.constant 0 : i32
      %scan3A_202 = arith.constant 50 : i32
      %scan3A_203 = arith.addi %scan3A_201, %scan3A_202 : i32
      %scan3A_204 = arith.constant 1 : i32
      scf.for %scan3A_217 = %scan3A_201 to %scan3A_203 step %scan3A_204  : i32 {
        %mul3A_218 = arith.constant 16 : i32
        %mul3A_219 = arith.muli %scan3A_217, %mul3A_218 : i32
        %get3A = arith.index_cast %mul3A_219 : i32 to index
        %get3A_220 = tpu.vector_load %arg5[%get3A] {strides = array<i32>} : memref<9600xf32, #tpu.memory_space<vmem>>, vector<16xf32>,
        %add3A_221 = arith.constant 800 : i32
        %add3A_222 = arith.addi %add3A_221, %mul3A_219 : i32
        %get3A_223 = arith.index_cast %add3A_222 : i32 to index
        %get3A_224 = tpu.vector_load %arg5[%get3A_223] {strides = array<i32>} : memref<9600xf32, #tpu.memory_space<vmem>>, vector<16xf32>,
        %add3A_225 = arith.constant 1600 : i32
        %add3A_226 = arith.addi %add3A_225, %mul3A_219 : i32
        %get3A_227 = arith.index_cast %add3A_226 : i32 to index
        %get3A_228 = tpu.vector_load %arg5[%get3A_227] {strides = array<i32>} : memref<9600xf32, #tpu.memory_space<vmem>>, vector<16xf32>,
        %mul3A_229 = arith.mulf %get3A_220, %get3A_220 : vector<16xf32>
        %mul3A_230 = arith.mulf %get3A_224, %get3A_224 : vector<16xf32>
        %add3A_231 = arith.addf %mul3A_229, %mul3A_230 : vector<16xf32>
        %mul3A_232 = arith.mulf %get3A_228, %get3A_228 : vector<16xf32>
        %add3A_233 = arith.addf %add3A_231, %mul3A_232 : vector<16xf32>
        %bitcast3A = vector.bitcast %add3A_233 : vector<16xf32> to vector<16xi32>
        %shift_right_logical3A = arith.constant 1 : i32
        %shift_right_logical3A_234 = vector.broadcast %shift_right_logical3A : i32 to vector<16xi32>
        %shift_right_logical3A_235 = arith.shrui %bitcast3A, %shift_right_logical3A_234 : vector<16xi32>
        %sub3A_236 = arith.constant 1597463007 : i32
        %sub3A_237 = vector.broadcast %sub3A_236 : i32 to vector<16xi32>
        %sub3A_238 = arith.subi %sub3A_237, %shift_right_logical3A_235 : vector<16xi32>
        %bitcast3A_239 = vector.bitcast %sub3A_238 : vector<16xi32> to vector<16xf32>
        %mul3A_240 = arith.constant 5.000000e-01 : f32
        %mul3A_241 = vector.broadcast %mul3A_240 : f32 to vector<16xf32>
        %mul3A_242 = arith.mulf %mul3A_241, %add3A_233 : vector<16xf32>
        %mul3A_243 = arith.mulf %mul3A_242, %bitcast3A_239 : vector<16xf32>
        %mul3A_244 = arith.mulf %mul3A_243, %bitcast3A_239 : vector<16xf32>
        %sub3A_245 = arith.constant 1.500000e+00 : f32
        %sub3A_246 = vector.broadcast %sub3A_245 : f32 to vector<16xf32>
        %sub3A_247 = arith.subf %sub3A_246, %mul3A_244 : vector<16xf32>
        %mul3A_248 = arith.mulf %bitcast3A_239, %sub3A_247 : vector<16xf32>
        %mul3A_249 = arith.constant 5.000000e-01 : f32
        %mul3A_250 = vector.broadcast %mul3A_249 : f32 to vector<16xf32>
        %mul3A_251 = arith.mulf %mul3A_250, %add3A_233 : vector<16xf32>
        %mul3A_252 = arith.mulf %mul3A_251, %mul3A_248 : vector<16xf32>
        %mul3A_253 = arith.mulf %mul3A_252, %mul3A_248 : vector<16xf32>
        %sub3A_254 = arith.constant 1.500000e+00 : f32
        %sub3A_255 = vector.broadcast %sub3A_254 : f32 to vector<16xf32>
        %sub3A_256 = arith.subf %sub3A_255, %mul3A_253 : vector<16xf32>
        %mul3A_257 = arith.mulf %mul3A_248, %sub3A_256 : vector<16xf32>
        %mul3A_258 = arith.constant 5.000000e-01 : f32
        %mul3A_259 = vector.broadcast %mul3A_258 : f32 to vector<16xf32>
        %mul3A_260 = arith.mulf %mul3A_259, %add3A_233 : vector<16xf32>
        %mul3A_261 = arith.mulf %mul3A_260, %mul3A_257 : vector<16xf32>
        %mul3A_262 = arith.mulf %mul3A_261, %mul3A_257 : vector<16xf32>
        %sub3A_263 = arith.constant 1.500000e+00 : f32
        %sub3A_264 = vector.broadcast %sub3A_263 : f32 to vector<16xf32>
        %sub3A_265 = arith.subf %sub3A_264, %mul3A_262 : vector<16xf32>
        %mul3A_266 = arith.mulf %mul3A_257, %sub3A_265 : vector<16xf32>
        %eq3A_267 = arith.constant 0 : i32
        %eq3A_268 = arith.cmpi eq, %select_n3A_100, %eq3A_267 : i32
        %eq3A_269 = arith.constant 1 : i32
        %eq3A_270 = arith.cmpi eq, %select_n3A_100, %eq3A_269 : i32
        %select_n3A_271 = arith.select %eq3A_270, %get3A_224, %get3A_228 : vector<16xf32>
        %select_n3A_272 = arith.select %eq3A_268, %get3A_220, %select_n3A_271 : vector<16xf32>
        %mul3A_273 = arith.mulf %select_n3A_272, %mul3A_266 : vector<16xf32>
        %jit3A_274 = arith.constant 1.000000e+00 : f32
        %broadcast_in_dim3A_275 = vector.broadcast %jit3A_274 : f32 to vector<16xf32>
        %select_n3A_276 = arith.select %gt3A_96, %mul3A_273, %broadcast_in_dim3A_275 : vector<16xf32>
        %add3A_277 = arith.constant 8800 : i32
        %add3A_278 = arith.addi %add3A_277, %mul3A_219 : i32
        %get3A_279 = arith.index_cast %add3A_278 : i32 to index
        %get3A_280 = tpu.vector_load %arg5[%get3A_279] {strides = array<i32>} : memref<9600xf32, #tpu.memory_space<vmem>>, vector<16xf32>,
        %bitcast3A_281 = vector.bitcast %get3A_280 : vector<16xf32> to vector<16xi32>
        %mul3A_282 = arith.constant 8 : i32
        %mul3A_283 = vector.broadcast %mul3A_282 : i32 to vector<16xi32>
        %mul3A_284 = arith.muli %bitcast3A_281, %mul3A_283 : vector<16xi32>
        %add3A_285 = arith.constant 0 : i32
        %add3A_286 = arith.addi %mul3A_219, %add3A_285 : i32
        %mul3A_287 = arith.constant 8 : i32
        %mul3A_288 = arith.muli %add3A_286, %mul3A_287 : i32
        %add3A_289 = arith.constant 2400 : i32
        %add3A_290 = arith.addi %add3A_289, %mul3A_288 : i32
        %get3A_291 = arith.index_cast %add3A_290 : i32 to index
        %get3A_292 = tpu.vector_load %arg5[%get3A_291] {strides = array<i32>} : memref<9600xf32, #tpu.memory_space<vmem>>, vector<16xf32>,
        %lt3A_293 = arith.constant 0 : i32
        %lt3A_294 = vector.broadcast %lt3A_293 : i32 to vector<16xi32>
        %lt3A_295 = arith.cmpi slt, %add3A_103, %lt3A_294 : vector<16xi32>
        %add3A_296 = arith.constant 16 : i32
        %add3A_297 = vector.broadcast %add3A_296 : i32 to vector<16xi32>
        %add3A_298 = arith.addi %add3A_103, %add3A_297 : vector<16xi32>
        %select_n3A_299 = arith.select %lt3A_295, %add3A_298, %add3A_103 : vector<16xi1>, vector<16xi32>
        %broadcast_in_dim3A_300 = vector.shape_cast %select_n3A_299 : vector<16xi32> to vector<16x1xi32>
        %gather3A = vector.shape_cast %broadcast_in_dim3A_300 : vector<16x1xi32> to vector<16xi32>
        %gather3A_301 = tpu.dynamic_gather %select_n3A_276[%gather3A] in [0] : vector<16xf32>, vector<16xi32> -> vector<16xf32>
        %lt3A_302 = arith.constant 0 : i32
        %lt3A_303 = vector.broadcast %lt3A_302 : i32 to vector<16xi32>
        %lt3A_304 = arith.cmpi slt, %add3A_103, %lt3A_303 : vector<16xi32>
        %add3A_305 = arith.constant 16 : i32
        %add3A_306 = vector.broadcast %add3A_305 : i32 to vector<16xi32>
        %add3A_307 = arith.addi %add3A_103, %add3A_306 : vector<16xi32>
        %select_n3A_308 = arith.select %lt3A_304, %add3A_307, %add3A_103 : vector<16xi1>, vector<16xi32>
        %broadcast_in_dim3A_309 = vector.shape_cast %select_n3A_308 : vector<16xi32> to vector<16x1xi32>
        %gather3A_310 = vector.shape_cast %broadcast_in_dim3A_309 : vector<16x1xi32> to vector<16xi32>
        %gather3A_311 = tpu.dynamic_gather %mul3A_284[%gather3A_310] in [0] : vector<16xi32>, vector<16xi32> -> vector<16xi32>
        %mul3A_312 = arith.mulf %get3A_292, %gather3A_301 : vector<16xf32>
        %add3A_313 = arith.addi %gather3A_311, %select_n3A_58 : vector<16xi32>
        tpu.vector_store_idx %arg6[%add3A_313], %mul3A_312 masked %eq3A_92 {add = true} : memref<80000xf32, #tpu.memory_space<vmem>>[vector<16xi32>], vector<16xf32>, vector<16xi1>
        tpu.vector_store_idx %arg6[%add3A_313], %mul3A_312 masked %eq3A_95 {add = true} : memref<80000xf32, #tpu.memory_space<vmem>>[vector<16xi32>], vector<16xf32>, vector<16xi1>
        %add3A_314 = arith.constant 2 : i32
        %add3A_315 = arith.addi %mul3A_219, %add3A_314 : i32
        %mul3A_316 = arith.constant 8 : i32
        %mul3A_317 = arith.muli %add3A_315, %mul3A_316 : i32
        %add3A_318 = arith.constant 2400 : i32
        %add3A_319 = arith.addi %add3A_318, %mul3A_317 : i32
        %get3A_320 = arith.index_cast %add3A_319 : i32 to index
        %get3A_321 = tpu.vector_load %arg5[%get3A_320] {strides = array<i32>} : memref<9600xf32, #tpu.memory_space<vmem>>, vector<16xf32>,
        %lt3A_322 = arith.constant 0 : i32
        %lt3A_323 = vector.broadcast %lt3A_322 : i32 to vector<16xi32>
        %lt3A_324 = arith.cmpi slt, %add3A_106, %lt3A_323 : vector<16xi32>
        %add3A_325 = arith.constant 16 : i32
        %add3A_326 = vector.broadcast %add3A_325 : i32 to vector<16xi32>
        %add3A_327 = arith.addi %add3A_106, %add3A_326 : vector<16xi32>
        %select_n3A_328 = arith.select %lt3A_324, %add3A_327, %add3A_106 : vector<16xi1>, vector<16xi32>
        %broadcast_in_dim3A_329 = vector.shape_cast %select_n3A_328 : vector<16xi32> to vector<16x1xi32>
        %gather3A_330 = vector.shape_cast %broadcast_in_dim3A_329 : vector<16x1xi32> to vector<16xi32>
        %gather3A_331 = tpu.dynamic_gather %select_n3A_276[%gather3A_330] in [0] : vector<16xf32>, vector<16xi32> -> vector<16xf32>
        %lt3A_332 = arith.constant 0 : i32
        %lt3A_333 = vector.broadcast %lt3A_332 : i32 to vector<16xi32>
        %lt3A_334 = arith.cmpi slt, %add3A_106, %lt3A_333 : vector<16xi32>
        %add3A_335 = arith.constant 16 : i32
        %add3A_336 = vector.broadcast %add3A_335 : i32 to vector<16xi32>
        %add3A_337 = arith.addi %add3A_106, %add3A_336 : vector<16xi32>
        %select_n3A_338 = arith.select %lt3A_334, %add3A_337, %add3A_106 : vector<16xi1>, vector<16xi32>
        %broadcast_in_dim3A_339 = vector.shape_cast %select_n3A_338 : vector<16xi32> to vector<16x1xi32>
        %gather3A_340 = vector.shape_cast %broadcast_in_dim3A_339 : vector<16x1xi32> to vector<16xi32>
        %gather3A_341 = tpu.dynamic_gather %mul3A_284[%gather3A_340] in [0] : vector<16xi32>, vector<16xi32> -> vector<16xi32>
        %mul3A_342 = arith.mulf %get3A_321, %gather3A_331 : vector<16xf32>
        %add3A_343 = arith.addi %gather3A_341, %select_n3A_58 : vector<16xi32>
        tpu.vector_store_idx %arg6[%add3A_343], %mul3A_342 masked %eq3A_92 {add = true} : memref<80000xf32, #tpu.memory_space<vmem>>[vector<16xi32>], vector<16xf32>, vector<16xi1>
        tpu.vector_store_idx %arg6[%add3A_343], %mul3A_342 masked %eq3A_95 {add = true} : memref<80000xf32, #tpu.memory_space<vmem>>[vector<16xi32>], vector<16xf32>, vector<16xi1>
        %add3A_344 = arith.constant 4 : i32
        %add3A_345 = arith.addi %mul3A_219, %add3A_344 : i32
        %mul3A_346 = arith.constant 8 : i32
        %mul3A_347 = arith.muli %add3A_345, %mul3A_346 : i32
        %add3A_348 = arith.constant 2400 : i32
        %add3A_349 = arith.addi %add3A_348, %mul3A_347 : i32
        %get3A_350 = arith.index_cast %add3A_349 : i32 to index
        %get3A_351 = tpu.vector_load %arg5[%get3A_350] {strides = array<i32>} : memref<9600xf32, #tpu.memory_space<vmem>>, vector<16xf32>,
        %lt3A_352 = arith.constant 0 : i32
        %lt3A_353 = vector.broadcast %lt3A_352 : i32 to vector<16xi32>
        %lt3A_354 = arith.cmpi slt, %add3A_109, %lt3A_353 : vector<16xi32>
        %add3A_355 = arith.constant 16 : i32
        %add3A_356 = vector.broadcast %add3A_355 : i32 to vector<16xi32>
        %add3A_357 = arith.addi %add3A_109, %add3A_356 : vector<16xi32>
        %select_n3A_358 = arith.select %lt3A_354, %add3A_357, %add3A_109 : vector<16xi1>, vector<16xi32>
        %broadcast_in_dim3A_359 = vector.shape_cast %select_n3A_358 : vector<16xi32> to vector<16x1xi32>
        %gather3A_360 = vector.shape_cast %broadcast_in_dim3A_359 : vector<16x1xi32> to vector<16xi32>
        %gather3A_361 = tpu.dynamic_gather %select_n3A_276[%gather3A_360] in [0] : vector<16xf32>, vector<16xi32> -> vector<16xf32>
        %lt3A_362 = arith.constant 0 : i32
        %lt3A_363 = vector.broadcast %lt3A_362 : i32 to vector<16xi32>
        %lt3A_364 = arith.cmpi slt, %add3A_109, %lt3A_363 : vector<16xi32>
        %add3A_365 = arith.constant 16 : i32
        %add3A_366 = vector.broadcast %add3A_365 : i32 to vector<16xi32>
        %add3A_367 = arith.addi %add3A_109, %add3A_366 : vector<16xi32>
        %select_n3A_368 = arith.select %lt3A_364, %add3A_367, %add3A_109 : vector<16xi1>, vector<16xi32>
        %broadcast_in_dim3A_369 = vector.shape_cast %select_n3A_368 : vector<16xi32> to vector<16x1xi32>
        %gather3A_370 = vector.shape_cast %broadcast_in_dim3A_369 : vector<16x1xi32> to vector<16xi32>
        %gather3A_371 = tpu.dynamic_gather %mul3A_284[%gather3A_370] in [0] : vector<16xi32>, vector<16xi32> -> vector<16xi32>
        %mul3A_372 = arith.mulf %get3A_351, %gather3A_361 : vector<16xf32>
        %add3A_373 = arith.addi %gather3A_371, %select_n3A_58 : vector<16xi32>
        tpu.vector_store_idx %arg6[%add3A_373], %mul3A_372 masked %eq3A_92 {add = true} : memref<80000xf32, #tpu.memory_space<vmem>>[vector<16xi32>], vector<16xf32>, vector<16xi1>
        tpu.vector_store_idx %arg6[%add3A_373], %mul3A_372 masked %eq3A_95 {add = true} : memref<80000xf32, #tpu.memory_space<vmem>>[vector<16xi32>], vector<16xf32>, vector<16xi1>
        %add3A_374 = arith.constant 6 : i32
        %add3A_375 = arith.addi %mul3A_219, %add3A_374 : i32
        %mul3A_376 = arith.constant 8 : i32
        %mul3A_377 = arith.muli %add3A_375, %mul3A_376 : i32
        %add3A_378 = arith.constant 2400 : i32
        %add3A_379 = arith.addi %add3A_378, %mul3A_377 : i32
        %get3A_380 = arith.index_cast %add3A_379 : i32 to index
        %get3A_381 = tpu.vector_load %arg5[%get3A_380] {strides = array<i32>} : memref<9600xf32, #tpu.memory_space<vmem>>, vector<16xf32>,
        %lt3A_382 = arith.constant 0 : i32
        %lt3A_383 = vector.broadcast %lt3A_382 : i32 to vector<16xi32>
        %lt3A_384 = arith.cmpi slt, %add3A_112, %lt3A_383 : vector<16xi32>
        %add3A_385 = arith.constant 16 : i32
        %add3A_386 = vector.broadcast %add3A_385 : i32 to vector<16xi32>
        %add3A_387 = arith.addi %add3A_112, %add3A_386 : vector<16xi32>
        %select_n3A_388 = arith.select %lt3A_384, %add3A_387, %add3A_112 : vector<16xi1>, vector<16xi32>
        %broadcast_in_dim3A_389 = vector.shape_cast %select_n3A_388 : vector<16xi32> to vector<16x1xi32>
        %gather3A_390 = vector.shape_cast %broadcast_in_dim3A_389 : vector<16x1xi32> to vector<16xi32>
        %gather3A_391 = tpu.dynamic_gather %select_n3A_276[%gather3A_390] in [0] : vector<16xf32>, vector<16xi32> -> vector<16xf32>
        %lt3A_392 = arith.constant 0 : i32
        %lt3A_393 = vector.broadcast %lt3A_392 : i32 to vector<16xi32>
        %lt3A_394 = arith.cmpi slt, %add3A_112, %lt3A_393 : vector<16xi32>
        %add3A_395 = arith.constant 16 : i32
        %add3A_396 = vector.broadcast %add3A_395 : i32 to vector<16xi32>
        %add3A_397 = arith.addi %add3A_112, %add3A_396 : vector<16xi32>
        %select_n3A_398 = arith.select %lt3A_394, %add3A_397, %add3A_112 : vector<16xi1>, vector<16xi32>
        %broadcast_in_dim3A_399 = vector.shape_cast %select_n3A_398 : vector<16xi32> to vector<16x1xi32>
        %gather3A_400 = vector.shape_cast %broadcast_in_dim3A_399 : vector<16x1xi32> to vector<16xi32>
        %gather3A_401 = tpu.dynamic_gather %mul3A_284[%gather3A_400] in [0] : vector<16xi32>, vector<16xi32> -> vector<16xi32>
        %mul3A_402 = arith.mulf %get3A_381, %gather3A_391 : vector<16xf32>
        %add3A_403 = arith.addi %gather3A_401, %select_n3A_58 : vector<16xi32>
        tpu.vector_store_idx %arg6[%add3A_403], %mul3A_402 masked %eq3A_92 {add = true} : memref<80000xf32, #tpu.memory_space<vmem>>[vector<16xi32>], vector<16xf32>, vector<16xi1>
        tpu.vector_store_idx %arg6[%add3A_403], %mul3A_402 masked %eq3A_95 {add = true} : memref<80000xf32, #tpu.memory_space<vmem>>[vector<16xi32>], vector<16xf32>, vector<16xi1>
        %add3A_404 = arith.constant 8 : i32
        %add3A_405 = arith.addi %mul3A_219, %add3A_404 : i32
        %mul3A_406 = arith.constant 8 : i32
        %mul3A_407 = arith.muli %add3A_405, %mul3A_406 : i32
        %add3A_408 = arith.constant 2400 : i32
        %add3A_409 = arith.addi %add3A_408, %mul3A_407 : i32
        %get3A_410 = arith.index_cast %add3A_409 : i32 to index
        %get3A_411 = tpu.vector_load %arg5[%get3A_410] {strides = array<i32>} : memref<9600xf32, #tpu.memory_space<vmem>>, vector<16xf32>,
        %lt3A_412 = arith.constant 0 : i32
        %lt3A_413 = vector.broadcast %lt3A_412 : i32 to vector<16xi32>
        %lt3A_414 = arith.cmpi slt, %add3A_115, %lt3A_413 : vector<16xi32>
        %add3A_415 = arith.constant 16 : i32
        %add3A_416 = vector.broadcast %add3A_415 : i32 to vector<16xi32>
        %add3A_417 = arith.addi %add3A_115, %add3A_416 : vector<16xi32>
        %select_n3A_418 = arith.select %lt3A_414, %add3A_417, %add3A_115 : vector<16xi1>, vector<16xi32>
        %broadcast_in_dim3A_419 = vector.shape_cast %select_n3A_418 : vector<16xi32> to vector<16x1xi32>
        %gather3A_420 = vector.shape_cast %broadcast_in_dim3A_419 : vector<16x1xi32> to vector<16xi32>
        %gather3A_421 = tpu.dynamic_gather %select_n3A_276[%gather3A_420] in [0] : vector<16xf32>, vector<16xi32> -> vector<16xf32>
        %lt3A_422 = arith.constant 0 : i32
        %lt3A_423 = vector.broadcast %lt3A_422 : i32 to vector<16xi32>
        %lt3A_424 = arith.cmpi slt, %add3A_115, %lt3A_423 : vector<16xi32>
        %add3A_425 = arith.constant 16 : i32
        %add3A_426 = vector.broadcast %add3A_425 : i32 to vector<16xi32>
        %add3A_427 = arith.addi %add3A_115, %add3A_426 : vector<16xi32>
        %select_n3A_428 = arith.select %lt3A_424, %add3A_427, %add3A_115 : vector<16xi1>, vector<16xi32>
        %broadcast_in_dim3A_429 = vector.shape_cast %select_n3A_428 : vector<16xi32> to vector<16x1xi32>
        %gather3A_430 = vector.shape_cast %broadcast_in_dim3A_429 : vector<16x1xi32> to vector<16xi32>
        %gather3A_431 = tpu.dynamic_gather %mul3A_284[%gather3A_430] in [0] : vector<16xi32>, vector<16xi32> -> vector<16xi32>
        %mul3A_432 = arith.mulf %get3A_411, %gather3A_421 : vector<16xf32>
        %add3A_433 = arith.addi %gather3A_431, %select_n3A_58 : vector<16xi32>
        tpu.vector_store_idx %arg6[%add3A_433], %mul3A_432 masked %eq3A_92 {add = true} : memref<80000xf32, #tpu.memory_space<vmem>>[vector<16xi32>], vector<16xf32>, vector<16xi1>
        tpu.vector_store_idx %arg6[%add3A_433], %mul3A_432 masked %eq3A_95 {add = true} : memref<80000xf32, #tpu.memory_space<vmem>>[vector<16xi32>], vector<16xf32>, vector<16xi1>
        %add3A_434 = arith.constant 10 : i32
        %add3A_435 = arith.addi %mul3A_219, %add3A_434 : i32
        %mul3A_436 = arith.constant 8 : i32
        %mul3A_437 = arith.muli %add3A_435, %mul3A_436 : i32
        %add3A_438 = arith.constant 2400 : i32
        %add3A_439 = arith.addi %add3A_438, %mul3A_437 : i32
        %get3A_440 = arith.index_cast %add3A_439 : i32 to index
        %get3A_441 = tpu.vector_load %arg5[%get3A_440] {strides = array<i32>} : memref<9600xf32, #tpu.memory_space<vmem>>, vector<16xf32>,
        %lt3A_442 = arith.constant 0 : i32
        %lt3A_443 = vector.broadcast %lt3A_442 : i32 to vector<16xi32>
        %lt3A_444 = arith.cmpi slt, %add3A_118, %lt3A_443 : vector<16xi32>
        %add3A_445 = arith.constant 16 : i32
        %add3A_446 = vector.broadcast %add3A_445 : i32 to vector<16xi32>
        %add3A_447 = arith.addi %add3A_118, %add3A_446 : vector<16xi32>
        %select_n3A_448 = arith.select %lt3A_444, %add3A_447, %add3A_118 : vector<16xi1>, vector<16xi32>
        %broadcast_in_dim3A_449 = vector.shape_cast %select_n3A_448 : vector<16xi32> to vector<16x1xi32>
        %gather3A_450 = vector.shape_cast %broadcast_in_dim3A_449 : vector<16x1xi32> to vector<16xi32>
        %gather3A_451 = tpu.dynamic_gather %select_n3A_276[%gather3A_450] in [0] : vector<16xf32>, vector<16xi32> -> vector<16xf32>
        %lt3A_452 = arith.constant 0 : i32
        %lt3A_453 = vector.broadcast %lt3A_452 : i32 to vector<16xi32>
        %lt3A_454 = arith.cmpi slt, %add3A_118, %lt3A_453 : vector<16xi32>
        %add3A_455 = arith.constant 16 : i32
        %add3A_456 = vector.broadcast %add3A_455 : i32 to vector<16xi32>
        %add3A_457 = arith.addi %add3A_118, %add3A_456 : vector<16xi32>
        %select_n3A_458 = arith.select %lt3A_454, %add3A_457, %add3A_118 : vector<16xi1>, vector<16xi32>
        %broadcast_in_dim3A_459 = vector.shape_cast %select_n3A_458 : vector<16xi32> to vector<16x1xi32>
        %gather3A_460 = vector.shape_cast %broadcast_in_dim3A_459 : vector<16x1xi32> to vector<16xi32>
        %gather3A_461 = tpu.dynamic_gather %mul3A_284[%gather3A_460] in [0] : vector<16xi32>, vector<16xi32> -> vector<16xi32>
        %mul3A_462 = arith.mulf %get3A_441, %gather3A_451 : vector<16xf32>
        %add3A_463 = arith.addi %gather3A_461, %select_n3A_58 : vector<16xi32>
        tpu.vector_store_idx %arg6[%add3A_463], %mul3A_462 masked %eq3A_92 {add = true} : memref<80000xf32, #tpu.memory_space<vmem>>[vector<16xi32>], vector<16xf32>, vector<16xi1>
        tpu.vector_store_idx %arg6[%add3A_463], %mul3A_462 masked %eq3A_95 {add = true} : memref<80000xf32, #tpu.memory_space<vmem>>[vector<16xi32>], vector<16xf32>, vector<16xi1>
        %add3A_464 = arith.constant 12 : i32
        %add3A_465 = arith.addi %mul3A_219, %add3A_464 : i32
        %mul3A_466 = arith.constant 8 : i32
        %mul3A_467 = arith.muli %add3A_465, %mul3A_466 : i32
        %add3A_468 = arith.constant 2400 : i32
        %add3A_469 = arith.addi %add3A_468, %mul3A_467 : i32
        %get3A_470 = arith.index_cast %add3A_469 : i32 to index
        %get3A_471 = tpu.vector_load %arg5[%get3A_470] {strides = array<i32>} : memref<9600xf32, #tpu.memory_space<vmem>>, vector<16xf32>,
        %lt3A_472 = arith.constant 0 : i32
        %lt3A_473 = vector.broadcast %lt3A_472 : i32 to vector<16xi32>
        %lt3A_474 = arith.cmpi slt, %add3A_121, %lt3A_473 : vector<16xi32>
        %add3A_475 = arith.constant 16 : i32
        %add3A_476 = vector.broadcast %add3A_475 : i32 to vector<16xi32>
        %add3A_477 = arith.addi %add3A_121, %add3A_476 : vector<16xi32>
        %select_n3A_478 = arith.select %lt3A_474, %add3A_477, %add3A_121 : vector<16xi1>, vector<16xi32>
        %broadcast_in_dim3A_479 = vector.shape_cast %select_n3A_478 : vector<16xi32> to vector<16x1xi32>
        %gather3A_480 = vector.shape_cast %broadcast_in_dim3A_479 : vector<16x1xi32> to vector<16xi32>
        %gather3A_481 = tpu.dynamic_gather %select_n3A_276[%gather3A_480] in [0] : vector<16xf32>, vector<16xi32> -> vector<16xf32>
        %lt3A_482 = arith.constant 0 : i32
        %lt3A_483 = vector.broadcast %lt3A_482 : i32 to vector<16xi32>
        %lt3A_484 = arith.cmpi slt, %add3A_121, %lt3A_483 : vector<16xi32>
        %add3A_485 = arith.constant 16 : i32
        %add3A_486 = vector.broadcast %add3A_485 : i32 to vector<16xi32>
        %add3A_487 = arith.addi %add3A_121, %add3A_486 : vector<16xi32>
        %select_n3A_488 = arith.select %lt3A_484, %add3A_487, %add3A_121 : vector<16xi1>, vector<16xi32>
        %broadcast_in_dim3A_489 = vector.shape_cast %select_n3A_488 : vector<16xi32> to vector<16x1xi32>
        %gather3A_490 = vector.shape_cast %broadcast_in_dim3A_489 : vector<16x1xi32> to vector<16xi32>
        %gather3A_491 = tpu.dynamic_gather %mul3A_284[%gather3A_490] in [0] : vector<16xi32>, vector<16xi32> -> vector<16xi32>
        %mul3A_492 = arith.mulf %get3A_471, %gather3A_481 : vector<16xf32>
        %add3A_493 = arith.addi %gather3A_491, %select_n3A_58 : vector<16xi32>
        tpu.vector_store_idx %arg6[%add3A_493], %mul3A_492 masked %eq3A_92 {add = true} : memref<80000xf32, #tpu.memory_space<vmem>>[vector<16xi32>], vector<16xf32>, vector<16xi1>
        tpu.vector_store_idx %arg6[%add3A_493], %mul3A_492 masked %eq3A_95 {add = true} : memref<80000xf32, #tpu.memory_space<vmem>>[vector<16xi32>], vector<16xf32>, vector<16xi1>
        %add3A_494 = arith.constant 14 : i32
        %add3A_495 = arith.addi %mul3A_219, %add3A_494 : i32
        %mul3A_496 = arith.constant 8 : i32
        %mul3A_497 = arith.muli %add3A_495, %mul3A_496 : i32
        %add3A_498 = arith.constant 2400 : i32
        %add3A_499 = arith.addi %add3A_498, %mul3A_497 : i32
        %get3A_500 = arith.index_cast %add3A_499 : i32 to index
        %get3A_501 = tpu.vector_load %arg5[%get3A_500] {strides = array<i32>} : memref<9600xf32, #tpu.memory_space<vmem>>, vector<16xf32>,
        %lt3A_502 = arith.constant 0 : i32
        %lt3A_503 = vector.broadcast %lt3A_502 : i32 to vector<16xi32>
        %lt3A_504 = arith.cmpi slt, %add3A_124, %lt3A_503 : vector<16xi32>
        %add3A_505 = arith.constant 16 : i32
        %add3A_506 = vector.broadcast %add3A_505 : i32 to vector<16xi32>
        %add3A_507 = arith.addi %add3A_124, %add3A_506 : vector<16xi32>
        %select_n3A_508 = arith.select %lt3A_504, %add3A_507, %add3A_124 : vector<16xi1>, vector<16xi32>
        %broadcast_in_dim3A_509 = vector.shape_cast %select_n3A_508 : vector<16xi32> to vector<16x1xi32>
        %gather3A_510 = vector.shape_cast %broadcast_in_dim3A_509 : vector<16x1xi32> to vector<16xi32>
        %gather3A_511 = tpu.dynamic_gather %select_n3A_276[%gather3A_510] in [0] : vector<16xf32>, vector<16xi32> -> vector<16xf32>
        %lt3A_512 = arith.constant 0 : i32
        %lt3A_513 = vector.broadcast %lt3A_512 : i32 to vector<16xi32>
        %lt3A_514 = arith.cmpi slt, %add3A_124, %lt3A_513 : vector<16xi32>
        %add3A_515 = arith.constant 16 : i32
        %add3A_516 = vector.broadcast %add3A_515 : i32 to vector<16xi32>
        %add3A_517 = arith.addi %add3A_124, %add3A_516 : vector<16xi32>
        %select_n3A_518 = arith.select %lt3A_514, %add3A_517, %add3A_124 : vector<16xi1>, vector<16xi32>
        %broadcast_in_dim3A_519 = vector.shape_cast %select_n3A_518 : vector<16xi32> to vector<16x1xi32>
        %gather3A_520 = vector.shape_cast %broadcast_in_dim3A_519 : vector<16x1xi32> to vector<16xi32>
        %gather3A_521 = tpu.dynamic_gather %mul3A_284[%gather3A_520] in [0] : vector<16xi32>, vector<16xi32> -> vector<16xi32>
        %mul3A_522 = arith.mulf %get3A_501, %gather3A_511 : vector<16xf32>
        %add3A_523 = arith.addi %gather3A_521, %select_n3A_58 : vector<16xi32>
        tpu.vector_store_idx %arg6[%add3A_523], %mul3A_522 masked %eq3A_92 {add = true} : memref<80000xf32, #tpu.memory_space<vmem>>[vector<16xi32>], vector<16xf32>, vector<16xi1>
        tpu.vector_store_idx %arg6[%add3A_523], %mul3A_522 masked %eq3A_95 {add = true} : memref<80000xf32, #tpu.memory_space<vmem>>[vector<16xi32>], vector<16xf32>, vector<16xi1>
      }
      %scan3A_205 = arith.constant 50 : i32
      %add3A_206 = arith.constant 3 : i32
      %add3A_207 = arith.addi %mul3A_165, %add3A_206 : i32
      %min3A_208 = arith.constant 49 : i32
      %min3A_209 = arith.minsi %add3A_207, %min3A_208 : i32
      %mul3A_210 = arith.constant 50 : i32
      %mul3A_211 = arith.muli %select_n3A_30, %mul3A_210 : i32
      %add3A_212 = arith.addi %mul3A_211, %min3A_209 : i32
      %mul3A_213 = arith.constant 9600 : i32
      %mul3A_214 = arith.muli %add3A_212, %mul3A_213 : i32
      %dma_start3A_215 = tpu.memref_slice %arg2[%mul3A_214] : memref<3840000xf32, #tpu.memory_space<hbm>> -> memref<9600xf32, #tpu.memory_space<hbm>>
      %dma_start3A_216 = tpu.memref_slice %arg2[%mul3A_214] : memref<3840000xf32, #tpu.memory_space<hbm>> -> memref<9600xf32, #tpu.memory_space<hbm>>
      tpu.enqueue_dma source(%dma_start3A_216 : memref<9600xf32, #tpu.memory_space<hbm>>) target(%arg5 : memref<9600xf32, #tpu.memory_space<vmem>>) target_semaphore(%arg8 : memref<!tpu.dma_semaphore, #tpu.memory_space<semaphore_mem>>)
    }
    %scan3A_145 = arith.constant 25 : i32
    %mul3A_146 = arith.constant 50 : i32
    %mul3A_147 = arith.muli %select_n3A_30, %mul3A_146 : i32
    %add3A_148 = arith.constant 49 : i32
    %add3A_149 = arith.addi %mul3A_147, %add3A_148 : i32
    %mul3A_150 = arith.constant 9600 : i32
    %mul3A_151 = arith.muli %add3A_149, %mul3A_150 : i32
    %dma_wait3A = tpu.memref_slice %arg2[%mul3A_151] : memref<3840000xf32, #tpu.memory_space<hbm>> -> memref<9600xf32, #tpu.memory_space<hbm>>
    %dma_wait3A_152 = tpu.memref_slice %arg2[%mul3A_151] : memref<3840000xf32, #tpu.memory_space<hbm>> -> memref<9600xf32, #tpu.memory_space<hbm>>
    tpu.wait_dma2 semaphore(%arg7 : memref<!tpu.dma_semaphore, #tpu.memory_space<semaphore_mem>>) src(%dma_wait3A_152 : memref<9600xf32, #tpu.memory_space<hbm>>) dst(%arg4 : memref<9600xf32, #tpu.memory_space<vmem>>)
    %mul3A_153 = arith.constant 50 : i32
    %mul3A_154 = arith.muli %select_n3A_30, %mul3A_153 : i32
    %add3A_155 = arith.constant 49 : i32
    %add3A_156 = arith.addi %mul3A_154, %add3A_155 : i32
    %mul3A_157 = arith.constant 9600 : i32
    %mul3A_158 = arith.muli %add3A_156, %mul3A_157 : i32
    %dma_wait3A_159 = tpu.memref_slice %arg2[%mul3A_158] : memref<3840000xf32, #tpu.memory_space<hbm>> -> memref<9600xf32, #tpu.memory_space<hbm>>
    %dma_wait3A_160 = tpu.memref_slice %arg2[%mul3A_158] : memref<3840000xf32, #tpu.memory_space<hbm>> -> memref<9600xf32, #tpu.memory_space<hbm>>
    tpu.wait_dma2 semaphore(%arg8 : memref<!tpu.dma_semaphore, #tpu.memory_space<semaphore_mem>>) src(%dma_wait3A_160 : memref<9600xf32, #tpu.memory_space<hbm>>) dst(%arg5 : memref<9600xf32, #tpu.memory_space<vmem>>)
    %mul3A_161 = arith.constant 80000 : i32
    %mul3A_162 = arith.muli %add3A, %mul3A_161 : i32
    "tpu.region"() ({
      %run_scoped3A = tpu.sem_alloc : memref<!tpu.dma_semaphore, #tpu.memory_space<semaphore_mem>>
      %dma_start3A_163 = tpu.memref_slice %arg3[%mul3A_162] : memref<2560000xf32, #tpu.memory_space<hbm>> -> memref<80000xf32, #tpu.memory_space<hbm>>
      %dma_start3A_164 = tpu.memref_slice %arg3[%mul3A_162] : memref<2560000xf32, #tpu.memory_space<hbm>> -> memref<80000xf32, #tpu.memory_space<hbm>>
      tpu.enqueue_dma source(%arg6 : memref<80000xf32, #tpu.memory_space<vmem>>) target(%dma_start3A_164 : memref<80000xf32, #tpu.memory_space<hbm>>) target_semaphore(%run_scoped3A : memref<!tpu.dma_semaphore, #tpu.memory_space<semaphore_mem>>)
      %dma_wait3A_165 = tpu.memref_slice %arg3[%mul3A_162] : memref<2560000xf32, #tpu.memory_space<hbm>> -> memref<80000xf32, #tpu.memory_space<hbm>>
      %dma_wait3A_166 = tpu.memref_slice %arg3[%mul3A_162] : memref<2560000xf32, #tpu.memory_space<hbm>> -> memref<80000xf32, #tpu.memory_space<hbm>>
      tpu.wait_dma2 semaphore(%run_scoped3A : memref<!tpu.dma_semaphore, #tpu.memory_space<semaphore_mem>>) src(%arg6 : memref<80000xf32, #tpu.memory_space<vmem>>) dst(%dma_wait3A_166 : memref<80000xf32, #tpu.memory_space<hbm>>)
      tpu.yield
    }) : () -> ()
    return
  }
}

module attributes {stable_mosaic.version = 14 : i64} {
  func.func @_dense_body(%arg0: i32, %arg1: memref<1000x128xf32, #tpu.memory_space<vmem>>, %arg2: memref<4x1000x8xf32, #tpu.memory_space<vmem>>, %arg3: memref<1x1x1000xi32, #tpu.memory_space<vmem>>, %arg4: memref<8x128xf32, #tpu.memory_space<vmem>>, %arg5: memref<3x128xf32, #tpu.memory_space<vmem>>, %arg6: memref<128x128xf32, #tpu.memory_space<vmem>>, %arg7: memref<128x128xf32, #tpu.memory_space<vmem>>, %arg8: memref<64x128xf32, #tpu.memory_space<vmem>>, %arg9: memref<128x16xf32, #tpu.memory_space<vmem>>, %arg10: memref<10x64xf32, #tpu.memory_space<vmem>>, %arg11: memref<1000x128xf32, #tpu.memory_space<vmem>>, %arg12: memref<1000x16xf32, #tpu.memory_space<vmem>>) attributes {dimension_semantics = [#tpu.dimension_semantics<arbitrary>], iteration_bounds = array<i64: 10>, scalar_prefetch = 0 : i64, scratch_operands = 0 : i64, tpu.core_type = #tpu.core_type<tc>, window_params = [{transform_indices = @transform_0, window_bounds = array<i64: 1000, 128>}, {transform_indices = @transform_1, window_bounds = array<i64: 4, 1000, 8>}, {transform_indices = @transform_2, window_bounds = array<i64: 1, 1, 1000>}, {pipeline_mode = #tpu.pipeline_mode<synchronous>, transform_indices = @transform_3, window_bounds = array<i64: 8, 128>}, {pipeline_mode = #tpu.pipeline_mode<synchronous>, transform_indices = @transform_4, window_bounds = array<i64: 3, 128>}, {pipeline_mode = #tpu.pipeline_mode<synchronous>, transform_indices = @transform_5, window_bounds = array<i64: 128, 128>}, {pipeline_mode = #tpu.pipeline_mode<synchronous>, transform_indices = @transform_6, window_bounds = array<i64: 128, 128>}, {pipeline_mode = #tpu.pipeline_mode<synchronous>, transform_indices = @transform_7, window_bounds = array<i64: 64, 128>}, {pipeline_mode = #tpu.pipeline_mode<synchronous>, transform_indices = @transform_8, window_bounds = array<i64: 128, 16>}, {pipeline_mode = #tpu.pipeline_mode<synchronous>, transform_indices = @transform_9, window_bounds = array<i64: 10, 64>}, {transform_indices = @transform_10, window_bounds = array<i64: 1000, 128>}, {transform_indices = @transform_11, window_bounds = array<i64: 1000, 16>}]} {
    %get3A = arith.constant 0 : index
    %get3A_0 = arith.constant 0 : index
    %get3A_1 = vector.load %arg4[%get3A, %get3A_0] : memref<8x128xf32, #tpu.memory_space<vmem>>, vector<8x128xf32>
    %get3A_2 = arith.constant 0 : index
    %get3A_3 = arith.constant 0 : index
    %get3A_4 = vector.load %arg5[%get3A_2, %get3A_3] : memref<3x128xf32, #tpu.memory_space<vmem>>, vector<3x128xf32>
    %get3A_5 = arith.constant 0 : index
    %get3A_6 = arith.constant 0 : index
    %get3A_7 = arith.constant 0 : index
    %get3A_8 = vector.load %arg2[%get3A_5, %get3A_6, %get3A_7] : memref<4x1000x8xf32, #tpu.memory_space<vmem>>, vector<1x1000x8xf32>
    %get3A_9 = vector.shape_cast %get3A_8 : vector<1x1000x8xf32> to vector<1000x8xf32>
    %dot_general3A = arith.constant dense<0.000000e+00> : vector<1000x128xf32>
    %dot_general3A_10 = tpu.matmul %get3A_9, %get3A_1, %dot_general3A {dimension_numbers = #tpu.dot_dimension_numbers<[1], [0], [0], [1], [0, 0, 1, 1], [], []>, precision = #tpu.contract_precision<fp32>, transpose_lhs_hint = false} : vector<1000x8xf32>, vector<8x128xf32>, vector<1000x128xf32> -> vector<1000x128xf32>
    %get3A_11 = arith.constant 1 : index
    %get3A_12 = arith.constant 0 : index
    %get3A_13 = arith.constant 0 : index
    %get3A_14 = vector.load %arg2[%get3A_11, %get3A_12, %get3A_13] : memref<4x1000x8xf32, #tpu.memory_space<vmem>>, vector<1x1000x8xf32>
    %get3A_15 = vector.shape_cast %get3A_14 : vector<1x1000x8xf32> to vector<1000x8xf32>
    %slice3A = vector.extract_strided_slice %get3A_4 {offsets = [0, 0], sizes = [1, 128], strides = [1, 1]} : vector<3x128xf32> to vector<1x128xf32>
    %mul3A = vector.broadcast %slice3A : vector<1x128xf32> to vector<8x128xf32>
    %mul3A_16 = arith.mulf %mul3A, %get3A_1 : vector<8x128xf32>
    %dot_general3A_17 = arith.constant dense<0.000000e+00> : vector<1000x128xf32>
    %dot_general3A_18 = tpu.matmul %get3A_15, %mul3A_16, %dot_general3A_17 {dimension_numbers = #tpu.dot_dimension_numbers<[1], [0], [0], [1], [0, 0, 1, 1], [], []>, precision = #tpu.contract_precision<fp32>, transpose_lhs_hint = false} : vector<1000x8xf32>, vector<8x128xf32>, vector<1000x128xf32> -> vector<1000x128xf32>
    %get3A_19 = arith.constant 2 : index
    %get3A_20 = arith.constant 0 : index
    %get3A_21 = arith.constant 0 : index
    %get3A_22 = vector.load %arg2[%get3A_19, %get3A_20, %get3A_21] : memref<4x1000x8xf32, #tpu.memory_space<vmem>>, vector<1x1000x8xf32>
    %get3A_23 = vector.shape_cast %get3A_22 : vector<1x1000x8xf32> to vector<1000x8xf32>
    %slice3A_24 = vector.extract_strided_slice %get3A_4 {offsets = [1, 0], sizes = [1, 128], strides = [1, 1]} : vector<3x128xf32> to vector<1x128xf32>
    %mul3A_25 = vector.broadcast %slice3A_24 : vector<1x128xf32> to vector<8x128xf32>
    %mul3A_26 = arith.mulf %mul3A_25, %get3A_1 : vector<8x128xf32>
    %dot_general3A_27 = arith.constant dense<0.000000e+00> : vector<1000x128xf32>
    %dot_general3A_28 = tpu.matmul %get3A_23, %mul3A_26, %dot_general3A_27 {dimension_numbers = #tpu.dot_dimension_numbers<[1], [0], [0], [1], [0, 0, 1, 1], [], []>, precision = #tpu.contract_precision<fp32>, transpose_lhs_hint = false} : vector<1000x8xf32>, vector<8x128xf32>, vector<1000x128xf32> -> vector<1000x128xf32>
    %add3A = arith.addf %dot_general3A_18, %dot_general3A_28 : vector<1000x128xf32>
    %get3A_29 = arith.constant 3 : index
    %get3A_30 = arith.constant 0 : index
    %get3A_31 = arith.constant 0 : index
    %get3A_32 = vector.load %arg2[%get3A_29, %get3A_30, %get3A_31] : memref<4x1000x8xf32, #tpu.memory_space<vmem>>, vector<1x1000x8xf32>
    %get3A_33 = vector.shape_cast %get3A_32 : vector<1x1000x8xf32> to vector<1000x8xf32>
    %slice3A_34 = vector.extract_strided_slice %get3A_4 {offsets = [2, 0], sizes = [1, 128], strides = [1, 1]} : vector<3x128xf32> to vector<1x128xf32>
    %mul3A_35 = vector.broadcast %slice3A_34 : vector<1x128xf32> to vector<8x128xf32>
    %mul3A_36 = arith.mulf %mul3A_35, %get3A_1 : vector<8x128xf32>
    %dot_general3A_37 = arith.constant dense<0.000000e+00> : vector<1000x128xf32>
    %dot_general3A_38 = tpu.matmul %get3A_33, %mul3A_36, %dot_general3A_37 {dimension_numbers = #tpu.dot_dimension_numbers<[1], [0], [0], [1], [0, 0, 1, 1], [], []>, precision = #tpu.contract_precision<fp32>, transpose_lhs_hint = false} : vector<1000x8xf32>, vector<8x128xf32>, vector<1000x128xf32> -> vector<1000x128xf32>
    %add3A_39 = arith.addf %add3A, %dot_general3A_38 : vector<1000x128xf32>
    %get3A_40 = arith.constant 0 : index
    %get3A_41 = arith.constant 0 : index
    %get3A_42 = vector.load %arg1[%get3A_40, %get3A_41] : memref<1000x128xf32, #tpu.memory_space<vmem>>, vector<1000x128xf32>
    %mul3A_43 = arith.mulf %get3A_42, %dot_general3A_10 : vector<1000x128xf32>
    %add3A_44 = arith.addf %mul3A_43, %add3A_39 : vector<1000x128xf32>
    %mul3A_45 = arith.constant 3.125000e-02 : f32
    %mul3A_46 = vector.broadcast %mul3A_45 : f32 to vector<1000x128xf32>
    %mul3A_47 = arith.mulf %add3A_44, %mul3A_46 : vector<1000x128xf32>
    %get3A_48 = arith.constant 0 : index
    %get3A_49 = arith.constant 0 : index
    %get3A_50 = vector.load %arg6[%get3A_48, %get3A_49] : memref<128x128xf32, #tpu.memory_space<vmem>>, vector<128x128xf32>
    %dot_general3A_51 = arith.constant dense<0.000000e+00> : vector<1000x128xf32>
    %dot_general3A_52 = tpu.matmul %mul3A_47, %get3A_50, %dot_general3A_51 {dimension_numbers = #tpu.dot_dimension_numbers<[1], [0], [0], [1], [0, 0, 1, 1], [], []>, precision = #tpu.contract_precision<fp32>, transpose_lhs_hint = false} : vector<1000x128xf32>, vector<128x128xf32>, vector<1000x128xf32> -> vector<1000x128xf32>
    %get3A_53 = arith.constant 0 : index
    %get3A_54 = arith.constant 0 : index
    %get3A_55 = vector.load %arg7[%get3A_53, %get3A_54] : memref<128x128xf32, #tpu.memory_space<vmem>>, vector<128x128xf32>
    %dot_general3A_56 = arith.constant dense<0.000000e+00> : vector<1000x128xf32>
    %dot_general3A_57 = tpu.matmul %get3A_42, %get3A_55, %dot_general3A_56 {dimension_numbers = #tpu.dot_dimension_numbers<[1], [0], [0], [1], [0, 0, 1, 1], [], []>, precision = #tpu.contract_precision<fp32>, transpose_lhs_hint = false} : vector<1000x128xf32>, vector<128x128xf32>, vector<1000x128xf32> -> vector<1000x128xf32>
    %add3A_58 = arith.addf %dot_general3A_52, %dot_general3A_57 : vector<1000x128xf32>
    %get3A_59 = arith.constant 0 : index
    %get3A_60 = arith.constant 0 : index
    %get3A_61 = arith.constant 0 : index
    %get3A_62 = vector.load %arg3[%get3A_59, %get3A_60, %get3A_61] : memref<1x1x1000xi32, #tpu.memory_space<vmem>>, vector<1x1x1000xi32>
    %get3A_63 = vector.shape_cast %get3A_62 : vector<1x1x1000xi32> to vector<1x1000xi32>
    %iota3A = tpu.iota {dimensions = array<i32: 0>} : vector<10x1000xi32>
    %broadcast_in_dim3A = vector.shape_cast %get3A_63 : vector<1x1000xi32> to vector<1x1000xi32>
    %broadcast_in_dim3A_64 = vector.broadcast %broadcast_in_dim3A : vector<1x1000xi32> to vector<10x1000xi32>
    %eq3A = arith.cmpi eq, %broadcast_in_dim3A_64, %iota3A : vector<10x1000xi32>
    %convert_element_type3A = arith.extui %eq3A : vector<10x1000xi1> to vector<10x1000xi32>
    %convert_element_type3A_65 = arith.sitofp %convert_element_type3A : vector<10x1000xi32> to vector<10x1000xf32>
    %get3A_66 = arith.constant 0 : index
    %get3A_67 = arith.constant 0 : index
    %get3A_68 = vector.load %arg10[%get3A_66, %get3A_67] : memref<10x64xf32, #tpu.memory_space<vmem>>, vector<10x64xf32>
    %get3A_69 = arith.constant 0 : index
    %get3A_70 = arith.constant 0 : index
    %get3A_71 = vector.load %arg8[%get3A_69, %get3A_70] : memref<64x128xf32, #tpu.memory_space<vmem>>, vector<64x128xf32>
    %dot_general3A_72 = arith.constant dense<0.000000e+00> : vector<10x128xf32>
    %dot_general3A_73 = tpu.matmul %get3A_68, %get3A_71, %dot_general3A_72 {dimension_numbers = #tpu.dot_dimension_numbers<[1], [0], [0], [1], [0, 0, 1, 1], [], []>, precision = #tpu.contract_precision<fp32>, transpose_lhs_hint = false} : vector<10x64xf32>, vector<64x128xf32>, vector<10x128xf32> -> vector<10x128xf32>
    %dot_general3A_74 = arith.constant dense<0.000000e+00> : vector<1000x128xf32>
    %dot_general3A_75 = tpu.matmul %convert_element_type3A_65, %dot_general3A_73, %dot_general3A_74 {dimension_numbers = #tpu.dot_dimension_numbers<[0], [0], [1], [1], [0, 1, 1, 1], [], []>, precision = #tpu.contract_precision<fp32>, transpose_lhs_hint = false} : vector<10x1000xf32>, vector<10x128xf32>, vector<1000x128xf32> -> vector<1000x128xf32>
    %logistic3A = arith.negf %dot_general3A_75 : vector<1000x128xf32>
    %logistic3A_76 = math.exp %logistic3A : vector<1000x128xf32>
    %logistic3A_77 = arith.constant 1.000000e+00 : f32
    %logistic3A_78 = vector.broadcast %logistic3A_77 : f32 to vector<1000x128xf32>
    %logistic3A_79 = arith.addf %logistic3A_78, %logistic3A_76 : vector<1000x128xf32>
    %logistic3A_80 = arith.divf %logistic3A_78, %logistic3A_79 : vector<1000x128xf32>
    %mul3A_81 = arith.mulf %dot_general3A_75, %logistic3A_80 : vector<1000x128xf32>
    %mul3A_82 = arith.mulf %add3A_58, %mul3A_81 : vector<1000x128xf32>
    %swap3A = arith.constant 0 : index
    %swap3A_83 = arith.constant 0 : index
    %swap3A_84 = vector.load %arg11[%swap3A, %swap3A_83] : memref<1000x128xf32, #tpu.memory_space<vmem>>, vector<1000x128xf32>
    tpu.vector_store %arg11[%swap3A, %swap3A_83], %mul3A_82 {strides = array<i32>} : memref<1000x128xf32, #tpu.memory_space<vmem>>, vector<1000x128xf32>,
    %get3A_85 = arith.constant 0 : index
    %get3A_86 = arith.constant 0 : index
    %get3A_87 = vector.load %arg9[%get3A_85, %get3A_86] : memref<128x16xf32, #tpu.memory_space<vmem>>, vector<128x16xf32>
    %dot_general3A_88 = arith.constant dense<0.000000e+00> : vector<1000x16xf32>
    %dot_general3A_89 = tpu.matmul %mul3A_82, %get3A_87, %dot_general3A_88 {dimension_numbers = #tpu.dot_dimension_numbers<[1], [0], [0], [1], [0, 0, 1, 1], [], []>, precision = #tpu.contract_precision<fp32>, transpose_lhs_hint = false} : vector<1000x128xf32>, vector<128x16xf32>, vector<1000x16xf32> -> vector<1000x16xf32>
    %swap3A_90 = arith.constant 0 : index
    %swap3A_91 = arith.constant 0 : index
    %swap3A_92 = vector.load %arg12[%swap3A_90, %swap3A_91] : memref<1000x16xf32, #tpu.memory_space<vmem>>, vector<1000x16xf32>
    tpu.vector_store %arg12[%swap3A_90, %swap3A_91], %dot_general3A_89 {strides = array<i32>} : memref<1000x16xf32, #tpu.memory_space<vmem>>, vector<1000x16xf32>,
    return
  }
  func.func @transform_0(%arg0: i32) -> (i32, i32) {
    %c0_i32 = arith.constant 0 : i32
    %c0_i32_0 = arith.constant 0 : i32
    return %arg0, %c0_i32 : i32, i32
  }
  func.func @transform_1(%arg0: i32) -> (i32, i32, i32) {
    %c0_i32 = arith.constant 0 : i32
    %c0_i32_0 = arith.constant 0 : i32
    %c0_i32_1 = arith.constant 0 : i32
    return %c0_i32, %arg0, %c0_i32_0 : i32, i32, i32
  }
  func.func @transform_2(%arg0: i32) -> (i32, i32, i32) {
    %c0_i32 = arith.constant 0 : i32
    %c0_i32_0 = arith.constant 0 : i32
    %c0_i32_1 = arith.constant 0 : i32
    return %arg0, %c0_i32, %c0_i32_0 : i32, i32, i32
  }
  func.func @transform_3(%arg0: i32) -> (i32, i32) {
    %c0_i32 = arith.constant 0 : i32
    %c0_i32_0 = arith.constant 0 : i32
    %c0_i32_1 = arith.constant 0 : i32
    return %c0_i32, %c0_i32_0 : i32, i32
  }
  func.func @transform_4(%arg0: i32) -> (i32, i32) {
    %c0_i32 = arith.constant 0 : i32
    %c0_i32_0 = arith.constant 0 : i32
    %c0_i32_1 = arith.constant 0 : i32
    return %c0_i32, %c0_i32_0 : i32, i32
  }
  func.func @transform_5(%arg0: i32) -> (i32, i32) {
    %c0_i32 = arith.constant 0 : i32
    %c0_i32_0 = arith.constant 0 : i32
    %c0_i32_1 = arith.constant 0 : i32
    return %c0_i32, %c0_i32_0 : i32, i32
  }
  func.func @transform_6(%arg0: i32) -> (i32, i32) {
    %c0_i32 = arith.constant 0 : i32
    %c0_i32_0 = arith.constant 0 : i32
    %c0_i32_1 = arith.constant 0 : i32
    return %c0_i32, %c0_i32_0 : i32, i32
  }
  func.func @transform_7(%arg0: i32) -> (i32, i32) {
    %c0_i32 = arith.constant 0 : i32
    %c0_i32_0 = arith.constant 0 : i32
    %c0_i32_1 = arith.constant 0 : i32
    return %c0_i32, %c0_i32_0 : i32, i32
  }
  func.func @transform_8(%arg0: i32) -> (i32, i32) {
    %c0_i32 = arith.constant 0 : i32
    %c0_i32_0 = arith.constant 0 : i32
    %c0_i32_1 = arith.constant 0 : i32
    return %c0_i32, %c0_i32_0 : i32, i32
  }
  func.func @transform_9(%arg0: i32) -> (i32, i32) {
    %c0_i32 = arith.constant 0 : i32
    %c0_i32_0 = arith.constant 0 : i32
    %c0_i32_1 = arith.constant 0 : i32
    return %c0_i32, %c0_i32_0 : i32, i32
  }
  func.func @transform_10(%arg0: i32) -> (i32, i32) {
    %c0_i32 = arith.constant 0 : i32
    %c0_i32_0 = arith.constant 0 : i32
    return %arg0, %c0_i32 : i32, i32
  }
  func.func @transform_11(%arg0: i32) -> (i32, i32) {
    %c0_i32 = arith.constant 0 : i32
    %c0_i32_0 = arith.constant 0 : i32
    return %arg0, %c0_i32 : i32, i32
  }
}

</mosaic_0001>

<sc_bundles>
// kernel: kernel.4.cloned.1.call-start
scs
__scs_entry_jumppad:
0x0: {  	(pc) =	sbr.rel $0x88, $3  }
0x1: {  	(tag) =	ssettag $0x0;
	lr =	simm.s32 $0x1  }
0x2: {  	[smem:$0x3F95] =	sst lr;
	_ =	strace $0xD0000000  }
0x3: {  	_ = 	snop  }
0x4: {  	_ = 	snop  }
0x5: {  	_ = 	snop  }
0x6: {  	_ = 	snop  }
0x7: {  	_ = 	snop  }
__scs_overlays_trampoline_lowered:
0x8: {  	[smem:$0x3FA4] =	sst s0  }
0x9: {  	[smem:$0x3FA5] =	sst s1  }
0xa: {  	[smem:$0x3FA6] =	sst s2  }
0xb: {  	[smem:$0x3FA7] =	sst s3  }
0xc: {  	[smem:$0x3FA8] =	sst s4  }
0xd: {  	[smem:$0x3FA9] =	sst s5  }
0xe: {  	[smem:$0x3FAA] =	sst s6  }
0xf: {  	[smem:$0x3FAB] =	sst s7  }
0x10: {  	[smem:$0x3FAC] =	sst s8  }
0x11: {  	[smem:$0x3FAD] =	sst s9;
	s0 =	simm.s32 @!p0 $0x0  }
0x12: {  	s1 =	sld [smem:$0x3F93];
	s0 =	simm.s32 @p0 $0x1  }
0x13: {  	[smem:$0x3FAE] =	sst s0;
	s0 =	simm.s32 @!p1 $0x0  }
0x14: {  	s2 =	sld [smem:$0x3F92];
	s0 =	simm.s32 @p1 $0x1  }
0x15: {  	[smem:$0x3FAF] =	sst s0;
	s0 =	simm.s32 @!p2 $0x0  }
0x16: {  	s3 =	sld [smem:$0x3FDB];
	s0 =	simm.s32 @p2 $0x1  }
0x17: {  	s4 =	simm.s32 $0x1BF5;
	[smem:$0x3FB1] =	sst s0  }
0x18: {  	s0 =	sld [smem:$0x3F94];
	_ =	swait.ge [sflag:s4], $0x0  }
0x19: {  	s7 =	sld [smem:$0x3F95]  }
0x1a: {  	s8 =	sadd.s32 $0xFFFFE003, lr  }
0x1b: {  	s9 =	sadd.s32 $0xFFFFFEF7, lr;
	s5 =	simm.s32 $0xFFFFFFFF;
	p2 =	slt.u32 s8, $0xFFFFF086  }
0x1c: {  	p1 =	slt.u32 s9, $0xF7A;
	s5 =	simm.s32 @!p2 $0x0  }
0x1d: {  	s5 =	simm.s32 @p1 $0x1;
	p0 =	seq.s32 s7, s2  }
0x1e: {  	s7 =	smul.u32 @!p0 $0xF7A, s2;
	p2 =	seq.s32 @!p0 s5, $0x0  }
0x1f: {  	s9 =	smul.u32 $0xF7A, s1;
	s8 =	simm.s32 @!p0 $0x1BF5;
	p2 =	por !p2, p0  }
0x20: {  	[sflag:s8] =	ssyncset.s32 @!p0 $0xFFFFF086;
	s6 =	sadd.s32 @!p0 s3, s7;
	s7 =	simm.s32 @!p0 $0x108  }
0x21: {  	s3 =	sadd.s32 s3, s9;
	s6 =	sadd.s32 @!p0 $0x88, s6;
	s7 =	simm.s32 @p2 $0x1082  }
0x22: {  	[simem:s7], [sflag:s8] =	dma.local @!p0 [hbm:s6], $0xF7A  }
0x23: {  	s9 =	sor.u32 $0xD0000000, s2;
	s6 =	simm.s32 $0x108;
	_ =	swait.ge @!p0 [sflag:s8], $0x0  }
0x24: {  	s3 =	sadd.s32 $0x88, s3;
	s6 =	simm.s32 @!p1 $0x1082;
	[sflag:s4] =	ssyncset.s32 $0xFFFFF086  }
0x25: {  	[simem:s6], [sflag:s4] =	dma.local [hbm:s3], $0xF7A  }
0x26: {  	[smem:$0x3F95] =	sst s1;
	(tag) =	ssettag s2;
	_ =	strace s9  }
0x27: {  	s1 =	sld [smem:$0x3FA5]  }
0x28: {  	s2 =	sld [smem:$0x3FA6]  }
0x29: {  	s4 =	sld [smem:$0x3FA8]  }
0x2a: {  	p0 =	seq.s32 s5, $0x0;
	s5 =	sld [smem:$0x3FA9]  }
0x2b: {  	s6 =	sld [smem:$0x3FAA]  }
0x2c: {  	s7 =	sld [smem:$0x3FAB]  }
0x2d: {  	s3 =	simm.s32 $0x108;
	s8 =	sld [smem:$0x3FAC]  }
0x2e: {  	s3 =	simm.s32 @!p0 $0x1082;
	s9 =	sld [smem:$0x3FAD]  }
0x2f: {  	lr =	sadd.s32 s0, s3;
	s0 =	sld [smem:$0x3FA4]  }
0x30: {  	s3 =	sld [smem:$0x3FA7]  }
0x31: {  	[smem:$0x3FB0] =	sst s10  }
0x32: {  	s10 =	sld [smem:$0x3FAE];
	_ =	sdelay $0x3  }
0x33: {  	p0 =	seq.s32 s10, $0x1;
	s10 =	sld [smem:$0x3FB0];
	_ =	sdelay $0x3  }
0x34: {  	[smem:$0x3FB0] =	sst s10  }
0x35: {  	s10 =	sld [smem:$0x3FAF];
	_ =	sdelay $0x3  }
0x36: {  	p1 =	seq.s32 s10, $0x1;
	s10 =	sld [smem:$0x3FB0];
	_ =	sdelay $0x3  }
0x37: {  	[smem:$0x3FB0] =	sst s10  }
0x38: {  	s10 =	sld [smem:$0x3FB1]  }
0x39: {  	_ = 	snop;
	(pc) =	sbr.ind lr, $3  }
0x3a: {  	_ = 	snop  }
0x3b: {  	_ = 	snop  }
0x3c: {  	p2 =	seq.s32 s10, $0x1;
	s10 =	sld [smem:$0x3FB0]  }
0x3d: {  	_ =	shalt  }
0x3e: {  	_ =	shalt  }
0x3f: {  	_ =	shalt  }
0x40: {  	_ =	shalt  }
0x41: {  	_ =	shalt  }
0x42: {  	_ =	shalt  }
0x43: {  	_ =	shalt  }
0x44: {  	_ =	shalt  }
0x45: {  	_ =	shalt  }
0x46: {  	_ =	shalt  }
0x47: {  	_ =	shalt  }
0x48: {  	_ =	shalt  }
0x49: {  	_ =	shalt  }
0x4a: {  	_ =	shalt  }
0x4b: {  	_ =	shalt  }
0x4c: {  	_ =	shalt  }
0x4d: {  	_ =	shalt  }
0x4e: {  	_ =	shalt  }
0x4f: {  	_ =	shalt  }
0x50: {  	_ =	shalt  }
0x51: {  	_ =	shalt  }
0x52: {  	_ =	shalt  }
0x53: {  	_ =	shalt  }
0x54: {  	_ =	shalt  }
0x55: {  	_ =	shalt  }
0x56: {  	_ =	shalt  }
0x57: {  	_ =	shalt  }
0x58: {  	_ =	shalt  }
0x59: {  	_ =	shalt  }
0x5a: {  	_ =	shalt  }
0x5b: {  	_ =	shalt  }
0x5c: {  	_ =	shalt  }
0x5d: {  	_ =	shalt  }
0x5e: {  	_ =	shalt  }
0x5f: {  	_ =	shalt  }
0x60: {  	_ =	shalt  }
0x61: {  	_ =	shalt  }
0x62: {  	_ =	shalt  }
0x63: {  	_ =	shalt  }
0x64: {  	_ =	shalt  }
0x65: {  	_ =	shalt  }
0x66: {  	_ =	shalt  }
0x67: {  	_ =	shalt  }
0x68: {  	_ =	shalt  }
0x69: {  	_ =	shalt  }
0x6a: {  	_ =	shalt  }
0x6b: {  	_ =	shalt  }
0x6c: {  	_ =	shalt  }
0x6d: {  	_ =	shalt  }
0x6e: {  	_ =	shalt  }
0x6f: {  	_ =	shalt  }
0x70: {  	_ =	shalt  }
0x71: {  	_ =	shalt  }
0x72: {  	_ =	shalt  }
0x73: {  	_ =	shalt  }
0x74: {  	_ =	shalt  }
0x75: {  	_ =	shalt  }
0x76: {  	_ =	shalt  }
0x77: {  	_ =	shalt  }
0x78: {  	_ =	shalt  }
0x79: {  	_ =	shalt  }
0x7a: {  	_ =	shalt  }
0x7b: {  	_ =	shalt  }
0x7c: {  	_ =	shalt  }
0x7d: {  	_ =	shalt  }
0x7e: {  	_ =	shalt  }
0x7f: {  	_ =	shalt  }
0x80: {  	_ =	shalt  }
0x81: {  	_ =	shalt  }
0x82: {  	_ =	shalt  }
0x83: {  	_ =	shalt  }
0x84: {  	_ =	shalt  }
0x85: {  	_ =	shalt  }
0x86: {  	_ =	shalt  }
0x87: {  	_ =	shalt  }
.Lfunc_end0:
.L_simem_size_0:
called_computation_lowered:
.L_overlay_start_0:
0x88: {  	s2 =	sld [smem:$0x3FD9]  }
0x89: {  	s3 =	sld [smem:$0x3FFE];
	_ =	sdelay $0x1  }
0x8a: {  	s1 =	srdreg.scid  }
0x8b: {  	s0 =	sand.u32 $0x1, s1  }
0x8c: {  	s16 =	sshll.u32 s0, $0xA;
	s2 =	sadd.s32 s3, s2  }
0x8d: {  	s2 =	sadd.s32 s2, s16  }
0x8e: {  	[smem:$0x3FBC] =	sst s2  }
0x8f: {  	_ = 	snop  }
0x90: {  	(tm) =	ssettm $0x1  }
0x91: {  	s17 =	sld [smem:$0x3FFB];
	_ =	sdelay $0x3  }
0x92: {  	_ =	strace s17  }
0x93: {  	s2 =	sld [smem:$0x3FFC];
	_ =	sdelay $0x3  }
0x94: {  	_ =	strace s2  }
0x95: {  	s2 =	sld [smem:$0x3FFD];
	_ =	sdelay $0x3  }
0x96: {  	_ =	strace s2  }
0x97: {  	_ =	strace $0x8FFFFFFF  }
0x98: {  	s18 =	sld [smem:$0x3FDB];
	_ =	sdelay $0x1  }
0x99: {  	s19 =	simm.s32 $_scs_section_size  }
0x9a: {  	s4 =	simm.s32 $_size__tile_overlayer_lowered;
	s5 =	simm.s32 $_tile_overlayer_lowered  }
0x9b: {  	s22 =	simm.s32 $0x1BFF;
	s21 =	sshll.u32 s5, $0x1;
	s2 =	sadd.s32 s19, s18  }
0x9c: {  	s6 =	simm.s32 $0x0;
	s20 =	sshll.u32 s4, $0x1;
	s4 =	sadd.s32 s21, s2  }
0x9d: {  	[timem:s6], [sflag:s22] =	dma.local [hbm:s4], s20  }
0x9e: {  	_ =	swait.ge [sflag:s22], s20  }
0x9f: {  	s3 =	ssub.s32 $0x0, s20;
	[sflag:s22] =	ssyncset.done $0x0  }
0xa0: {  	[sflag:s22] =	ssyncadd.s32 s3;
	_ =	sdelay $0x1  }
0xa1: {  	s23 =	simm.s32 $0x1B8B  }
0xa2: {  	_ =	swait.ge [sflag:s23], $0x1  }
0xa3: {  	[sflag:s23] =	ssyncset.done $0x0  }
0xa4: {  	s25 =	simm.s32 $0x1B8E;
	s24 =	sld [smem:$0x3FFE];
	[sflag:s23] =	ssyncadd.s32 $0xFFFFFFFF  }
0xa5: {  	s26 =	simm.s32 $execute0_lowered;
	[smem:$0x3FD2] =	sst s25  }
0xa6: {  	s4 =	sshll.u32 s26, $0x1;
	_ =	strace $0x80000046;
	[dreg:$0x1] =	wrdreg $0xFFFFFFFF  }
0xa7: {  	s28 =	simm.s32 $_size_execute0_lowered;
	s2 =	sadd.s32 s2, s4;
	[dreg:$0x0] =	wrdreg $0x0  }
0xa8: {  	s4 =	sshll.u32 s28, $0x1;
	[dreg:$0x2] =	wrdreg s2  }
0xa9: {  	[dreg:$0x3] =	wrdreg s4  }
0xaa: {  	[dreg:$0x4] =	wrdreg $0xC0  }
0xab: {  	_ =	task [dreg:s6], $0x5FFFF  }
0xac: {  	[dreg:$0x1] =	wrdreg $0xFFFFFFFF  }
0xad: {  	[dreg:$0x0] =	wrdreg $0x60  }
0xae: {  	[dreg:$0x2] =	wrdreg s24  }
0xaf: {  	[dreg:$0x3] =	wrdreg $0x9  }
0xb0: {  	_ =	task.clear_ibuf [dreg:s6], $0x4FFFF;
	_ =	strace $0x90000046  }
0xb1: {  	s29 =	simm.s32 $0x9;
	_ =	strace $0x80000048  }
0xb2: {  	_ =	swait.ge [sflag:s29], $0x1  }
0xb3: {  	[sflag:s29] =	ssyncadd.s32 $0xFFFFFFFF  }
0xb4: {  	_ =	strace $0x90000048  }
0xb5: {  	_ =	sfence  }
0xb6: {  	s30 =	sld [smem:$0x0];
	_ =	sdelay $0x2  }
0xb7: {  	s31 =	sshll.u32 s1, $0xD;
	s1 =	sshrl.u32 s1, $0x2  }
0xb8: {  	s3 =	sand.u32 $0x4000, s31;
	s1 =	sadd.s32 s1, s30  }
0xb9: {  	s0 =	sor.u32 s3, s0;
	s1 =	sshll.u32 s1, $0x11  }
0xba: {  	s0 =	sor.u32 s1, s0  }
0xbb: {  	s0 =	sadd.s32 $0x8F2B, s0  }
0xbc: {  	[sflag:s0] =	ssyncadd.remote.s32 $0x1  }
0xbd: {  	_ =	sfence.sel $0xFFFF  }
0xbe: {  	[dreg:$0x0] =	wrdreg $0xFFFFFFFF;
	(pc) =	sbr.abs _section_cstart, $3  }
0xbf: {  	[dreg:$0x1] =	wrdreg $0xFFFFFFFF  }
0xc0: {  	_ =	task.clear_ibuf [dreg:s6], $0x2FFFF;
	_ =	strace $0x9FFFFFFF  }
0xc1: {  	(tm) =	ssettm $0x7FFFFFFF  }
tec
execute0_lowered:
.L_overlay_start_1:
0x0: {  	(tag) =	ssettag $0x1  }
0x1: {  	s4 =	rddreg [dreg:$0x0]  }
0x2: {  	s1 =	srdreg.scid;
	s0 =	rddreg [dreg:$0x1];
	s2 =	simm.s32 $0x0  }
0x3: {  	s14 =	simm.s32 $0x3;
	s5 =	sand.u32 $0x1, s1;
	s1 =	stileid.u32  }
0x4: {  	s15 =	simm.s32 $0x0;
	[smem:$0x7FF] =	sst s2;
	s8 =	sand.u32 $0x7, s1  }
0x5: {  	s3 =	sshll.u32 s5, $0x4;
	_ =	strace $0x80000047;
	s10 =	smul.u32 $0x75300, s8  }
0x6: {  	s29 =	ssub.s32 $0x2, s5;
	s6 =	sor.u32 s1, s3;
	s30 =	smul.u32 $0xEA60, s8  }
0x7: {  	s3 =	sadd.s32 $0x1800, s4;
	p1 =	sne.s32 s8, $0x0;
	s8 =	smul.u32 $0x32, s8  }
0x8: {  	s5 =	sshrl.u32 s29, $0x1;
	s7 =	smul.u32 $0x2710, s6;
	p0 =	seq.s32 s6, $0x0  }
0x9: {  	s6 =	sshrl.u32 s6, $0x3;
	s11 =	ssub.s32 s29, s5;
	p0 =	por !p1, !p0  }
0xa: {  	s9 =	sadd.s32 s7, s4;
	p0 =	por !p0, !p0;
	s7 =	simm.s32 $0x1  }
0xb: {  	s31 =	sshrl.u32 s10, $0x3;
	s10 =	smax.u32 s11, $0x1;
	s7 =	simm.s32 @!p0 $0x0  }
0xc: {  	s11 =	simm.s32 $0x2580;
	s4 =	simm.s32 $0x1;
	s12 =	ssub.s32 s6, s7  }
0xd: {  	v2 =	vlaneseq.u32;
	s9 =	sadd.s32 $0x76C00, s9;
	s7 =	sadd.s32 s3, s31;
	p0 =	sgt.s32 s12, $0x1  }
0xe: {  	vm0 =	vcmask $0x3F20;
	v1 =	vshrl.u32 v2, $0x3;
	s5 =	smov.u32 s12;
	s6 =	sadd.s32 $0x4B0, s7;
	s7 =	sadd.s32 $0x2, s8  }
0xf: {  	v0 =	vimm.f32 $0.0e+00;
	v2 =	vand.u32 $0x7, v2;
	v3 =	vor.u32 $0x2, v1;
	s8 =	sadd.s32 $0x3, s8;
	p2 =	sgt.s32 s12, $0x0;
	s5 =	simm.s32 @!p0 $0x1  }
0x10: {  	v4 =	vor.u32 $0x4, v1;
	v5 =	vor.u32 $0x6, v1;
	v6 =	vor.u32 $0x8, v1;
	s12 =	simm.s32 $0x4B00;
	s13 =	sadd.s32 $0xFFFFFFFF, s5;
	s5 =	sadd.s32 s3, s30  }
0x11: {  	v7 =	vor.u32 $0xA, v1;
	v8 =	vor.u32 $0xC, v1;
	v9 =	vor.u32 $0xE, v1;
	p0 =	seq.s32 s13, $0x1;
	p1 =	seq.s32 s13, $0x0;
	s13 =	simm.s32 $0x2  }
.LBB2_1:
0x12: {  	s16 =	simm.s32 $0x0;
	s17 =	simm.s32 $0x200  }
.LBB2_2:
0x13: {  	p3 =	sne.s32 s17, $0x4E000;
	[tilespmem:s16+$0x4B70] =	vst v0  }
0x14: {  	[tilespmem:s16+$0x4B00] =	vst v0  }
0x15: {  	[tilespmem:s16+$0x4B10] =	vst v0  }
.Ltmp0:
0x16: {  	[tilespmem:s16+$0x4B20] =	vst v0;
	(pc) =	sbr.rel @p3 .LBB2_2-.Ltmp0, $4  }
0x17: {  	[tilespmem:s16+$0x4B30] =	vst v0  }
0x18: {  	[tilespmem:s16+$0x4B40] =	vst v0  }
0x19: {  	[tilespmem:s16+$0x4B50] =	vst v0  }
0x1a: {  	[tilespmem:s16+$0x4B60] =	vst v0;
	s16 =	sshra.s32 s17, $0x2;
	s17 =	sadd.s32 $0x200, s17  }
0x1b: {  	[tilespmem:s16+$0x4B70] =	vst v0  }
0x1c: {  	[tilespmem:s16+$0x4B00] =	vst v0  }
0x1d: {  	[tilespmem:s16+$0x4B10] =	vst v0  }
0x1e: {  	[tilespmem:s16+$0x4B20] =	vst v0  }
0x1f: {  	[tilespmem:s16+$0x4B30] =	vst v0  }
0x20: {  	[tilespmem:s16+$0x4B40] =	vst v0  }
0x21: {  	[tilespmem:s16+$0x4B50] =	vst v0  }
0x22: {  	[tilespmem:s16+$0x4B60] =	vst v0;
	s16 =	simm.s32 $0x0  }
0x23: {  	[tilespmem:s16], [sflag:$0x1] =	stream.linear.gather [hbm4b:s5+s16], $0x2580, $0x38;
	[tilespmem:$0x18380] =	vst v63  }
0x24: {  	_ = 	snop  }
0x25: {  	[tilespmem:s11], [sflag:$0x2] =	stream.linear.gather [hbm4b:s6+s16], $0x2580, $0x38;
	[tilespmem:$0x18380] =	vst v63  }
.LBB2_4:
0x26: {  	_ =	swait.ge [sflag:s4], $0x2580  }
0x27: {  	[sflag:s4] =	ssyncset.done $0x0  }
0x28: {  	s17 =	simm.s32 $0x0;
	[sflag:s4] =	ssyncadd.s32 $0xFFFFDA80  }
0x29: {  	v10 =	vld [tilespmem:s17+$0x0]  }
0x2a: {  	v11 =	vld [tilespmem:s17+$0x320];
	_ =	sdelay $0x1  }
0x2b: {  	v12 =	vld [tilespmem:s17+$0x640];
	_ =	sdelay $0x2  }
0x2c: {  	v13 =	vmul.f32 v10, v10;
	v14 =	vmul.f32 v11, v11;
	_ =	sdelay $0x1  }
0x2d: {  	v15 =	vmul.f32 v12, v12;
	v13 =	vadd.f32 v14, v13;
	_ =	sdelay $0x1  }
0x2e: {  	v13 =	vadd.f32 v15, v13;
	_ =	sdelay $0x1  }
0x2f: {  	v43 =	vshrl.u32 v13, $0x1;
	v13 =	vmul.f32 $5.000000000e-01, v13  }
0x30: {  	v14 =	vsub.s32 $0x5F3759DF, v43  }
0x31: {  	v44 =	vmul.f32 v14, v13;
	_ =	sdelay $0x1  }
0x32: {  	v15 =	vmul.f32 v14, v44;
	_ =	sdelay $0x1  }
0x33: {  	v15 =	vsub.f32 $1.500000000e+00, v15;
	_ =	sdelay $0x1  }
0x34: {  	v14 =	vmul.f32 v14, v15;
	_ =	sdelay $0x1  }
0x35: {  	v15 =	vmul.f32 v14, v13;
	_ =	sdelay $0x1  }
0x36: {  	v15 =	vmul.f32 v15, v14;
	_ =	sdelay $0x1  }
0x37: {  	v15 =	vsub.f32 $1.500000000e+00, v15;
	_ =	sdelay $0x1  }
0x38: {  	v14 =	vmul.f32 v15, v14;
	_ =	sdelay $0x1  }
0x39: {  	v13 =	vmul.f32 v14, v13;
	_ =	sdelay $0x1  }
0x3a: {  	v45 =	vld [tilespmem:s17+$0x2260];
	v13 =	vmul.f32 v13, v14;
	_ =	sdelay $0x1  }
0x3b: {  	v13 =	vsub.f32 $1.500000000e+00, v13;
	_ =	sdelay $0x1  }
0x3c: {  	v11 =	vpsel p0, v11, v12;
	v46 =	vmul.f32 v13, v14  }
0x3d: {  	s17 =	simm.s32 $0x9D0;
	v10 =	vpsel p1, v10, v11;
	v11 =	vshll.u32 v45, $0x3  }
0x3e: {  	v47 =	vld [tilespmem:s17+$0xFFFFFF90];
	v48 =	vperm.xlane v11, v1;
	v10 =	vmul.f32 v46, v10;
	_ =	sdelay $0x1  }
0x3f: {  	v49 =	vadd.s32 v2, v48;
	v10 =	vpsel !p2, $0x3F800000, v10  }
0x40: {  	v50 =	vperm.xlane v10, v1;
	_ =	sdelay $0x1  }
0x41: {  	v13 =	vmul.f32 v50, v47;
	_ =	sdelay $0x1  }
0x42: {  	[tilespmem:v49+s12+$0x0] =	vst.idx.add.f32.msk $0xff, v13  }
0x43: {  	[tilespmem:v49+s12+$0x0] =	vst.idx.add.f32.msk vm0, v13  }
0x44: {  	v51 =	vperm.xlane v11, v3;
	v13 =	vld [tilespmem:s17+$0xFFFFFFA0];
	_ =	sdelay $0x1  }
0x45: {  	v12 =	vadd.s32 v2, v51  }
0x46: {  	v52 =	vperm.xlane v10, v3;
	_ =	sdelay $0x1  }
0x47: {  	v13 =	vmul.f32 v52, v13;
	_ =	sdelay $0x1  }
0x48: {  	[tilespmem:v12+s12+$0x0] =	vst.idx.add.f32.msk $0xff, v13  }
0x49: {  	[tilespmem:v12+s12+$0x0] =	vst.idx.add.f32.msk vm0, v13  }
0x4a: {  	v53 =	vperm.xlane v11, v4;
	v13 =	vld [tilespmem:s17+$0xFFFFFFB0];
	_ =	sdelay $0x1  }
0x4b: {  	v12 =	vadd.s32 v2, v53  }
0x4c: {  	v54 =	vperm.xlane v10, v4;
	_ =	sdelay $0x1  }
0x4d: {  	v13 =	vmul.f32 v54, v13;
	_ =	sdelay $0x1  }
0x4e: {  	[tilespmem:v12+s12+$0x0] =	vst.idx.add.f32.msk $0xff, v13  }
0x4f: {  	[tilespmem:v12+s12+$0x0] =	vst.idx.add.f32.msk vm0, v13  }
0x50: {  	v55 =	vperm.xlane v11, v5;
	v13 =	vld [tilespmem:s17+$0xFFFFFFC0];
	_ =	sdelay $0x1  }
0x51: {  	v12 =	vadd.s32 v2, v55  }
0x52: {  	v56 =	vperm.xlane v10, v5;
	_ =	sdelay $0x1  }
0x53: {  	v13 =	vmul.f32 v56, v13;
	_ =	sdelay $0x1  }
0x54: {  	[tilespmem:v12+s12+$0x0] =	vst.idx.add.f32.msk $0xff, v13  }
0x55: {  	[tilespmem:v12+s12+$0x0] =	vst.idx.add.f32.msk vm0, v13  }
0x56: {  	v57 =	vperm.xlane v11, v6;
	v13 =	vld [tilespmem:s17+$0xFFFFFFD0];
	_ =	sdelay $0x1  }
0x57: {  	v12 =	vadd.s32 v2, v57  }
0x58: {  	v58 =	vperm.xlane v10, v6;
	_ =	sdelay $0x1  }
0x59: {  	v13 =	vmul.f32 v58, v13;
	_ =	sdelay $0x1  }
0x5a: {  	[tilespmem:v12+s12+$0x0] =	vst.idx.add.f32.msk $0xff, v13  }
0x5b: {  	[tilespmem:v12+s12+$0x0] =	vst.idx.add.f32.msk vm0, v13  }
0x5c: {  	v59 =	vperm.xlane v11, v7;
	v13 =	vld [tilespmem:s17+$0xFFFFFFE0];
	_ =	sdelay $0x1  }
0x5d: {  	v12 =	vadd.s32 v2, v59  }
0x5e: {  	v60 =	vperm.xlane v10, v7;
	_ =	sdelay $0x1  }
0x5f: {  	v13 =	vmul.f32 v60, v13;
	_ =	sdelay $0x1  }
0x60: {  	[tilespmem:v12+s12+$0x0] =	vst.idx.add.f32.msk $0xff, v13  }
0x61: {  	[tilespmem:v12+s12+$0x0] =	vst.idx.add.f32.msk vm0, v13  }
0x62: {  	v61 =	vperm.xlane v11, v8;
	v13 =	vld [tilespmem:s17+$0xFFFFFFF0];
	_ =	sdelay $0x1  }
0x63: {  	v12 =	vadd.s32 v2, v61  }
0x64: {  	v62 =	vperm.xlane v10, v8;
	_ =	sdelay $0x1  }
0x65: {  	v13 =	vmul.f32 v62, v13;
	_ =	sdelay $0x1  }
0x66: {  	[tilespmem:v12+s12+$0x0] =	vst.idx.add.f32.msk $0xff, v13  }
0x67: {  	[tilespmem:v12+s12+$0x0] =	vst.idx.add.f32.msk vm0, v13  }
0x68: {  	v11 =	vperm.xlane v11, v9;
	v12 =	vld [tilespmem:s17+$0x0];
	_ =	sdelay $0x1  }
0x69: {  	v63 =	vperm.xlane v10, v9;
	v10 =	vadd.s32 v2, v11;
	_ =	sdelay $0x2  }
0x6a: {  	s18 =	simm.s32 $0x40;
	v11 =	vmul.f32 v63, v12  }
.LBB2_5:
0x6b: {  	p3 =	sne.s32 s18, $0xC40  }
0x6c: {  	s17 =	sadd.s32 $0x80, s17;
	s19 =	smov.u32 s18;
	s18 =	sadd.s32 $0x40, s18;
	[tilespmem:v10+s12+$0x0] =	vst.idx.add.f32.msk $0xff, v11  }
0x6d: {  	s19 =	sshra.s32 s19, $0x2;
	[tilespmem:v10+s12+$0x0] =	vst.idx.add.f32.msk vm0, v11  }
0x6e: {  	v10 =	vld [tilespmem:s19+$0x0]  }
0x6f: {  	v11 =	vld [tilespmem:s19+$0x320]  }
0x70: {  	v12 =	vld [tilespmem:s19+$0x640];
	_ =	sdelay $0x2  }
0x71: {  	v13 =	vmul.f32 v10, v10  }
0x72: {  	v14 =	vmul.f32 v11, v11  }
0x73: {  	v15 =	vmul.f32 v12, v12;
	v11 =	vpsel p0, v11, v12  }
0x74: {  	v12 =	vadd.f32 v14, v13;
	v10 =	vpsel p1, v10, v11;
	_ =	sdelay $0x1  }
0x75: {  	v11 =	vadd.f32 v15, v12;
	_ =	sdelay $0x1  }
0x76: {  	v12 =	vshrl.u32 v11, $0x1;
	v11 =	vmul.f32 $5.000000000e-01, v11  }
0x77: {  	v12 =	vsub.s32 $0x5F3759DF, v12  }
0x78: {  	v13 =	vmul.f32 v12, v11;
	_ =	sdelay $0x1  }
0x79: {  	v13 =	vmul.f32 v12, v13;
	_ =	sdelay $0x1  }
0x7a: {  	v13 =	vsub.f32 $1.500000000e+00, v13;
	_ =	sdelay $0x1  }
0x7b: {  	v12 =	vmul.f32 v12, v13;
	_ =	sdelay $0x1  }
0x7c: {  	v13 =	vmul.f32 v12, v11;
	_ =	sdelay $0x1  }
0x7d: {  	v13 =	vmul.f32 v13, v12;
	_ =	sdelay $0x1  }
0x7e: {  	v13 =	vsub.f32 $1.500000000e+00, v13;
	_ =	sdelay $0x1  }
0x7f: {  	v12 =	vmul.f32 v13, v12;
	_ =	sdelay $0x1  }
0x80: {  	v11 =	vmul.f32 v12, v11  }
0x81: {  	v13 =	vld [tilespmem:s19+$0x2260]  }
0x82: {  	v11 =	vmul.f32 v11, v12;
	_ =	sdelay $0x1  }
0x83: {  	v11 =	vsub.f32 $1.500000000e+00, v11;
	_ =	sdelay $0x1  }
0x84: {  	v11 =	vmul.f32 v11, v12;
	v12 =	vshll.u32 v13, $0x3  }
0x85: {  	v13 =	vld [tilespmem:s17+$0xFFFFFF90];
	v14 =	vperm.xlane v12, v1;
	v15 =	vperm.xlane v12, v3  }
0x86: {  	v10 =	vmul.f32 v11, v10;
	v11 =	vperm.xlane v12, v4  }
0x87: {  	v16 =	vperm.xlane v12, v5;
	v17 =	vperm.xlane v12, v6;
	v14 =	vadd.s32 v2, v14  }
0x88: {  	v19 =	vperm.xlane v12, v8;
	v18 =	vpsel !p2, $0x3F800000, v10;
	v10 =	vperm.xlane v12, v7  }
0x89: {  	v12 =	vperm.xlane v12, v9;
	v20 =	vperm.xlane v18, v1;
	_ =	sdelay $0x1  }
0x8a: {  	v13 =	vmul.f32 v20, v13;
	_ =	sdelay $0x1  }
0x8b: {  	[tilespmem:v14+s12+$0x0] =	vst.idx.add.f32.msk $0xff, v13  }
0x8c: {  	[tilespmem:v14+s12+$0x0] =	vst.idx.add.f32.msk vm0, v13  }
0x8d: {  	v13 =	vld [tilespmem:s17+$0xFFFFFFA0]  }
0x8e: {  	v14 =	vadd.s32 v2, v15  }
0x8f: {  	v15 =	vperm.xlane v18, v3;
	_ =	sdelay $0x2  }
0x90: {  	v13 =	vmul.f32 v15, v13;
	_ =	sdelay $0x1  }
0x91: {  	[tilespmem:v14+s12+$0x0] =	vst.idx.add.f32.msk $0xff, v13  }
0x92: {  	[tilespmem:v14+s12+$0x0] =	vst.idx.add.f32.msk vm0, v13  }
0x93: {  	v13 =	vld [tilespmem:s17+$0xFFFFFFB0]  }
0x94: {  	v11 =	vadd.s32 v2, v11  }
0x95: {  	v14 =	vperm.xlane v18, v4;
	_ =	sdelay $0x2  }
0x96: {  	v13 =	vmul.f32 v14, v13;
	_ =	sdelay $0x1  }
0x97: {  	[tilespmem:v11+s12+$0x0] =	vst.idx.add.f32.msk $0xff, v13  }
0x98: {  	[tilespmem:v11+s12+$0x0] =	vst.idx.add.f32.msk vm0, v13  }
0x99: {  	v11 =	vld [tilespmem:s17+$0xFFFFFFC0]  }
0x9a: {  	v13 =	vadd.s32 v2, v16  }
0x9b: {  	v14 =	vperm.xlane v18, v5;
	_ =	sdelay $0x2  }
0x9c: {  	v11 =	vmul.f32 v14, v11;
	_ =	sdelay $0x1  }
0x9d: {  	[tilespmem:v13+s12+$0x0] =	vst.idx.add.f32.msk $0xff, v11  }
0x9e: {  	[tilespmem:v13+s12+$0x0] =	vst.idx.add.f32.msk vm0, v11  }
0x9f: {  	v11 =	vld [tilespmem:s17+$0xFFFFFFD0]  }
0xa0: {  	v13 =	vadd.s32 v2, v17  }
0xa1: {  	v14 =	vperm.xlane v18, v6;
	_ =	sdelay $0x2  }
0xa2: {  	v11 =	vmul.f32 v14, v11;
	_ =	sdelay $0x1  }
0xa3: {  	[tilespmem:v13+s12+$0x0] =	vst.idx.add.f32.msk $0xff, v11  }
0xa4: {  	[tilespmem:v13+s12+$0x0] =	vst.idx.add.f32.msk vm0, v11  }
0xa5: {  	v11 =	vld [tilespmem:s17+$0xFFFFFFE0]  }
0xa6: {  	v10 =	vadd.s32 v2, v10  }
0xa7: {  	v13 =	vperm.xlane v18, v7;
	_ =	sdelay $0x2  }
0xa8: {  	v11 =	vmul.f32 v13, v11;
	_ =	sdelay $0x1  }
0xa9: {  	[tilespmem:v10+s12+$0x0] =	vst.idx.add.f32.msk $0xff, v11  }
0xaa: {  	[tilespmem:v10+s12+$0x0] =	vst.idx.add.f32.msk vm0, v11  }
0xab: {  	v10 =	vld [tilespmem:s17+$0xFFFFFFF0]  }
0xac: {  	v11 =	vadd.s32 v2, v19  }
0xad: {  	v13 =	vperm.xlane v18, v8;
	_ =	sdelay $0x2  }
0xae: {  	v10 =	vmul.f32 v13, v10;
	_ =	sdelay $0x1  }
0xaf: {  	[tilespmem:v11+s12+$0x0] =	vst.idx.add.f32.msk $0xff, v10  }
0xb0: {  	[tilespmem:v11+s12+$0x0] =	vst.idx.add.f32.msk vm0, v10  }
0xb1: {  	v11 =	vld [tilespmem:s17+$0x0]  }
.Ltmp1:
0xb2: {  	v10 =	vadd.s32 v2, v12;
	(pc) =	sbr.rel @p3 .LBB2_5-.Ltmp1, $2  }
0xb3: {  	v12 =	vperm.xlane v18, v9;
	_ =	sdelay $0x2  }
0xb4: {  	v11 =	vmul.f32 v12, v11  }
0xb5: {  	s17 =	sshll.u32 s16, $0x1  }
0xb6: {  	s18 =	smin.u32 s17, $0x2F  }
0xb7: {  	s18 =	sadd.s32 s18, s7  }
0xb8: {  	s18 =	smul.u32 $0x4B0, s18  }
0xb9: {  	[tilespmem:v10+s12+$0x0] =	vst.idx.add.f32.msk $0xff, v11  }
0xba: {  	s19 =	simm.s32 $0x0;
	[tilespmem:v10+s12+$0x0] =	vst.idx.add.f32.msk vm0, v11;
	s18 =	sadd.s32 s3, s18  }
0xbb: {  	[tilespmem:s19], [sflag:$0x1] =	stream.linear.gather [hbm4b:s18+s19], $0x2580, $0x38;
	[tilespmem:$0x18380] =	vst v63  }
0xbc: {  	_ =	swait.ge [sflag:s13], $0x2580  }
0xbd: {  	[sflag:s13] =	ssyncset.done $0x0  }
0xbe: {  	s31 =	simm.s32 $0x0;
	[sflag:s13] =	ssyncadd.s32 $0xFFFFDA80  }
0xbf: {  	v10 =	vld [tilespmem:s31+$0x2580]  }
0xc0: {  	v11 =	vld [tilespmem:s31+$0x28A0];
	_ =	sdelay $0x1  }
0xc1: {  	v12 =	vld [tilespmem:s31+$0x2BC0];
	_ =	sdelay $0x2  }
0xc2: {  	v13 =	vmul.f32 v10, v10;
	v14 =	vmul.f32 v11, v11;
	_ =	sdelay $0x1  }
0xc3: {  	v15 =	vmul.f32 v12, v12;
	v13 =	vadd.f32 v14, v13;
	_ =	sdelay $0x1  }
0xc4: {  	v13 =	vadd.f32 v15, v13;
	_ =	sdelay $0x1  }
0xc5: {  	v43 =	vshrl.u32 v13, $0x1;
	v13 =	vmul.f32 $5.000000000e-01, v13  }
0xc6: {  	v14 =	vsub.s32 $0x5F3759DF, v43  }
0xc7: {  	v44 =	vmul.f32 v14, v13;
	_ =	sdelay $0x1  }
0xc8: {  	v15 =	vmul.f32 v14, v44;
	_ =	sdelay $0x1  }
0xc9: {  	v15 =	vsub.f32 $1.500000000e+00, v15;
	_ =	sdelay $0x1  }
0xca: {  	v14 =	vmul.f32 v14, v15;
	_ =	sdelay $0x1  }
0xcb: {  	v15 =	vmul.f32 v14, v13;
	_ =	sdelay $0x1  }
0xcc: {  	v15 =	vmul.f32 v15, v14;
	_ =	sdelay $0x1  }
0xcd: {  	v15 =	vsub.f32 $1.500000000e+00, v15;
	_ =	sdelay $0x1  }
0xce: {  	v14 =	vmul.f32 v15, v14;
	_ =	sdelay $0x1  }
0xcf: {  	v13 =	vmul.f32 v14, v13;
	_ =	sdelay $0x1  }
0xd0: {  	v45 =	vld [tilespmem:s31+$0x47E0];
	v13 =	vmul.f32 v13, v14;
	_ =	sdelay $0x1  }
0xd1: {  	v13 =	vsub.f32 $1.500000000e+00, v13;
	_ =	sdelay $0x1  }
0xd2: {  	v11 =	vpsel p0, v11, v12;
	v46 =	vmul.f32 v13, v14  }
0xd3: {  	s18 =	simm.s32 $0x2F50;
	v10 =	vpsel p1, v10, v11;
	v11 =	vshll.u32 v45, $0x3  }
0xd4: {  	v47 =	vld [tilespmem:s18+$0xFFFFFF90];
	v48 =	vperm.xlane v11, v1;
	v10 =	vmul.f32 v46, v10;
	_ =	sdelay $0x1  }
0xd5: {  	v49 =	vadd.s32 v2, v48;
	v10 =	vpsel !p2, $0x3F800000, v10  }
0xd6: {  	v50 =	vperm.xlane v10, v1;
	_ =	sdelay $0x1  }
0xd7: {  	v13 =	vmul.f32 v50, v47;
	_ =	sdelay $0x1  }
0xd8: {  	[tilespmem:v49+s12+$0x0] =	vst.idx.add.f32.msk $0xff, v13  }
0xd9: {  	[tilespmem:v49+s12+$0x0] =	vst.idx.add.f32.msk vm0, v13  }
0xda: {  	v51 =	vperm.xlane v11, v3;
	v13 =	vld [tilespmem:s18+$0xFFFFFFA0];
	_ =	sdelay $0x1  }
0xdb: {  	v12 =	vadd.s32 v2, v51  }
0xdc: {  	v52 =	vperm.xlane v10, v3;
	_ =	sdelay $0x1  }
0xdd: {  	v13 =	vmul.f32 v52, v13;
	_ =	sdelay $0x1  }
0xde: {  	[tilespmem:v12+s12+$0x0] =	vst.idx.add.f32.msk $0xff, v13  }
0xdf: {  	[tilespmem:v12+s12+$0x0] =	vst.idx.add.f32.msk vm0, v13  }
0xe0: {  	v53 =	vperm.xlane v11, v4;
	v13 =	vld [tilespmem:s18+$0xFFFFFFB0];
	_ =	sdelay $0x1  }
0xe1: {  	v12 =	vadd.s32 v2, v53  }
0xe2: {  	v54 =	vperm.xlane v10, v4;
	_ =	sdelay $0x1  }
0xe3: {  	v13 =	vmul.f32 v54, v13;
	_ =	sdelay $0x1  }
0xe4: {  	[tilespmem:v12+s12+$0x0] =	vst.idx.add.f32.msk $0xff, v13  }
0xe5: {  	[tilespmem:v12+s12+$0x0] =	vst.idx.add.f32.msk vm0, v13  }
0xe6: {  	v55 =	vperm.xlane v11, v5;
	v13 =	vld [tilespmem:s18+$0xFFFFFFC0];
	_ =	sdelay $0x1  }
0xe7: {  	v12 =	vadd.s32 v2, v55  }
0xe8: {  	v56 =	vperm.xlane v10, v5;
	_ =	sdelay $0x1  }
0xe9: {  	v13 =	vmul.f32 v56, v13;
	_ =	sdelay $0x1  }
0xea: {  	[tilespmem:v12+s12+$0x0] =	vst.idx.add.f32.msk $0xff, v13  }
0xeb: {  	[tilespmem:v12+s12+$0x0] =	vst.idx.add.f32.msk vm0, v13  }
0xec: {  	v57 =	vperm.xlane v11, v6;
	v13 =	vld [tilespmem:s18+$0xFFFFFFD0];
	_ =	sdelay $0x1  }
0xed: {  	v12 =	vadd.s32 v2, v57  }
0xee: {  	v58 =	vperm.xlane v10, v6;
	_ =	sdelay $0x1  }
0xef: {  	v13 =	vmul.f32 v58, v13;
	_ =	sdelay $0x1  }
0xf0: {  	[tilespmem:v12+s12+$0x0] =	vst.idx.add.f32.msk $0xff, v13  }
0xf1: {  	[tilespmem:v12+s12+$0x0] =	vst.idx.add.f32.msk vm0, v13  }
0xf2: {  	v59 =	vperm.xlane v11, v7;
	v13 =	vld [tilespmem:s18+$0xFFFFFFE0];
	_ =	sdelay $0x1  }
0xf3: {  	v12 =	vadd.s32 v2, v59  }
0xf4: {  	v60 =	vperm.xlane v10, v7;
	_ =	sdelay $0x1  }
0xf5: {  	v13 =	vmul.f32 v60, v13;
	_ =	sdelay $0x1  }
0xf6: {  	[tilespmem:v12+s12+$0x0] =	vst.idx.add.f32.msk $0xff, v13  }
0xf7: {  	[tilespmem:v12+s12+$0x0] =	vst.idx.add.f32.msk vm0, v13  }
0xf8: {  	v61 =	vperm.xlane v11, v8;
	v13 =	vld [tilespmem:s18+$0xFFFFFFF0];
	_ =	sdelay $0x1  }
0xf9: {  	v12 =	vadd.s32 v2, v61  }
0xfa: {  	v62 =	vperm.xlane v10, v8;
	_ =	sdelay $0x1  }
0xfb: {  	v13 =	vmul.f32 v62, v13;
	_ =	sdelay $0x1  }
0xfc: {  	[tilespmem:v12+s12+$0x0] =	vst.idx.add.f32.msk $0xff, v13  }
0xfd: {  	[tilespmem:v12+s12+$0x0] =	vst.idx.add.f32.msk vm0, v13  }
0xfe: {  	v11 =	vperm.xlane v11, v9;
	v12 =	vld [tilespmem:s18+$0x0];
	_ =	sdelay $0x1  }
0xff: {  	v63 =	vperm.xlane v10, v9;
	v10 =	vadd.s32 v2, v11;
	_ =	sdelay $0x2  }
0x100: {  	s19 =	simm.s32 $0x40;
	v11 =	vmul.f32 v63, v12  }
.LBB2_7:
0x101: {  	p3 =	sne.s32 s19, $0xC40  }
0x102: {  	s18 =	sadd.s32 $0x80, s18;
	s20 =	smov.u32 s19;
	s19 =	sadd.s32 $0x40, s19;
	[tilespmem:v10+s12+$0x0] =	vst.idx.add.f32.msk $0xff, v11  }
0x103: {  	s20 =	sshra.s32 s20, $0x2;
	[tilespmem:v10+s12+$0x0] =	vst.idx.add.f32.msk vm0, v11  }
0x104: {  	v10 =	vld [tilespmem:s20+$0x2580]  }
0x105: {  	v11 =	vld [tilespmem:s20+$0x28A0]  }
0x106: {  	v12 =	vld [tilespmem:s20+$0x2BC0];
	_ =	sdelay $0x2  }
0x107: {  	v13 =	vmul.f32 v10, v10  }
0x108: {  	v14 =	vmul.f32 v11, v11  }
0x109: {  	v15 =	vmul.f32 v12, v12;
	v11 =	vpsel p0, v11, v12  }
0x10a: {  	v12 =	vadd.f32 v14, v13;
	v10 =	vpsel p1, v10, v11;
	_ =	sdelay $0x1  }
0x10b: {  	v11 =	vadd.f32 v15, v12;
	_ =	sdelay $0x1  }
0x10c: {  	v12 =	vshrl.u32 v11, $0x1;
	v11 =	vmul.f32 $5.000000000e-01, v11  }
0x10d: {  	v12 =	vsub.s32 $0x5F3759DF, v12  }
0x10e: {  	v13 =	vmul.f32 v12, v11;
	_ =	sdelay $0x1  }
0x10f: {  	v13 =	vmul.f32 v12, v13;
	_ =	sdelay $0x1  }
0x110: {  	v13 =	vsub.f32 $1.500000000e+00, v13;
	_ =	sdelay $0x1  }
0x111: {  	v12 =	vmul.f32 v12, v13;
	_ =	sdelay $0x1  }
0x112: {  	v13 =	vmul.f32 v12, v11;
	_ =	sdelay $0x1  }
0x113: {  	v13 =	vmul.f32 v13, v12;
	_ =	sdelay $0x1  }
0x114: {  	v13 =	vsub.f32 $1.500000000e+00, v13;
	_ =	sdelay $0x1  }
0x115: {  	v12 =	vmul.f32 v13, v12;
	_ =	sdelay $0x1  }
0x116: {  	v11 =	vmul.f32 v12, v11  }
0x117: {  	v13 =	vld [tilespmem:s20+$0x47E0]  }
0x118: {  	v11 =	vmul.f32 v11, v12;
	_ =	sdelay $0x1  }
0x119: {  	v11 =	vsub.f32 $1.500000000e+00, v11;
	_ =	sdelay $0x1  }
0x11a: {  	v11 =	vmul.f32 v11, v12;
	v12 =	vshll.u32 v13, $0x3  }
0x11b: {  	v13 =	vld [tilespmem:s18+$0xFFFFFF90];
	v14 =	vperm.xlane v12, v1;
	v15 =	vperm.xlane v12, v3  }
0x11c: {  	v10 =	vmul.f32 v11, v10;
	v11 =	vperm.xlane v12, v4  }
0x11d: {  	v16 =	vperm.xlane v12, v5;
	v17 =	vperm.xlane v12, v6;
	v14 =	vadd.s32 v2, v14  }
0x11e: {  	v19 =	vperm.xlane v12, v8;
	v18 =	vpsel !p2, $0x3F800000, v10;
	v10 =	vperm.xlane v12, v7  }
0x11f: {  	v12 =	vperm.xlane v12, v9;
	v20 =	vperm.xlane v18, v1;
	_ =	sdelay $0x1  }
0x120: {  	v13 =	vmul.f32 v20, v13;
	_ =	sdelay $0x1  }
0x121: {  	[tilespmem:v14+s12+$0x0] =	vst.idx.add.f32.msk $0xff, v13  }
0x122: {  	[tilespmem:v14+s12+$0x0] =	vst.idx.add.f32.msk vm0, v13  }
0x123: {  	v13 =	vld [tilespmem:s18+$0xFFFFFFA0]  }
0x124: {  	v14 =	vadd.s32 v2, v15  }
0x125: {  	v15 =	vperm.xlane v18, v3;
	_ =	sdelay $0x2  }
0x126: {  	v13 =	vmul.f32 v15, v13;
	_ =	sdelay $0x1  }
0x127: {  	[tilespmem:v14+s12+$0x0] =	vst.idx.add.f32.msk $0xff, v13  }
0x128: {  	[tilespmem:v14+s12+$0x0] =	vst.idx.add.f32.msk vm0, v13  }
0x129: {  	v13 =	vld [tilespmem:s18+$0xFFFFFFB0]  }
0x12a: {  	v11 =	vadd.s32 v2, v11  }
0x12b: {  	v14 =	vperm.xlane v18, v4;
	_ =	sdelay $0x2  }
0x12c: {  	v13 =	vmul.f32 v14, v13;
	_ =	sdelay $0x1  }
0x12d: {  	[tilespmem:v11+s12+$0x0] =	vst.idx.add.f32.msk $0xff, v13  }
0x12e: {  	[tilespmem:v11+s12+$0x0] =	vst.idx.add.f32.msk vm0, v13  }
0x12f: {  	v11 =	vld [tilespmem:s18+$0xFFFFFFC0]  }
0x130: {  	v13 =	vadd.s32 v2, v16  }
0x131: {  	v14 =	vperm.xlane v18, v5;
	_ =	sdelay $0x2  }
0x132: {  	v11 =	vmul.f32 v14, v11;
	_ =	sdelay $0x1  }
0x133: {  	[tilespmem:v13+s12+$0x0] =	vst.idx.add.f32.msk $0xff, v11  }
0x134: {  	[tilespmem:v13+s12+$0x0] =	vst.idx.add.f32.msk vm0, v11  }
0x135: {  	v11 =	vld [tilespmem:s18+$0xFFFFFFD0]  }
0x136: {  	v13 =	vadd.s32 v2, v17  }
0x137: {  	v14 =	vperm.xlane v18, v6;
	_ =	sdelay $0x2  }
0x138: {  	v11 =	vmul.f32 v14, v11;
	_ =	sdelay $0x1  }
0x139: {  	[tilespmem:v13+s12+$0x0] =	vst.idx.add.f32.msk $0xff, v11  }
0x13a: {  	[tilespmem:v13+s12+$0x0] =	vst.idx.add.f32.msk vm0, v11  }
0x13b: {  	v11 =	vld [tilespmem:s18+$0xFFFFFFE0]  }
0x13c: {  	v10 =	vadd.s32 v2, v10  }
0x13d: {  	v13 =	vperm.xlane v18, v7;
	_ =	sdelay $0x2  }
0x13e: {  	v11 =	vmul.f32 v13, v11;
	_ =	sdelay $0x1  }
0x13f: {  	[tilespmem:v10+s12+$0x0] =	vst.idx.add.f32.msk $0xff, v11  }
0x140: {  	[tilespmem:v10+s12+$0x0] =	vst.idx.add.f32.msk vm0, v11  }
0x141: {  	v10 =	vld [tilespmem:s18+$0xFFFFFFF0]  }
0x142: {  	v11 =	vadd.s32 v2, v19  }
0x143: {  	v13 =	vperm.xlane v18, v8;
	_ =	sdelay $0x2  }
0x144: {  	v10 =	vmul.f32 v13, v10;
	_ =	sdelay $0x1  }
0x145: {  	[tilespmem:v11+s12+$0x0] =	vst.idx.add.f32.msk $0xff, v10  }
0x146: {  	[tilespmem:v11+s12+$0x0] =	vst.idx.add.f32.msk vm0, v10  }
0x147: {  	v11 =	vld [tilespmem:s18+$0x0]  }
.Ltmp2:
0x148: {  	v10 =	vadd.s32 v2, v12;
	(pc) =	sbr.rel @p3 .LBB2_7-.Ltmp2, $2  }
0x149: {  	v12 =	vperm.xlane v18, v9;
	_ =	sdelay $0x2  }
0x14a: {  	v11 =	vmul.f32 v12, v11  }
0x14b: {  	s16 =	sadd.s32 $0x1, s16  }
0x14c: {  	s17 =	smin.u32 s17, $0x2E;
	p3 =	sne.s32 s16, $0x19  }
.Ltmp3:
0x14d: {  	s17 =	sadd.s32 s17, s8;
	(pc) =	sbr.rel @p3 .LBB2_4-.Ltmp3, $4  }
0x14e: {  	s17 =	smul.u32 $0x4B0, s17  }
0x14f: {  	[tilespmem:v10+s12+$0x0] =	vst.idx.add.f32.msk $0xff, v11  }
0x150: {  	[tilespmem:v10+s12+$0x0] =	vst.idx.add.f32.msk vm0, v11;
	s17 =	sadd.s32 s3, s17  }
0x151: {  	[tilespmem:s11], [sflag:$0x2] =	stream.linear.gather [hbm4b:s17+s2], $0x2580, $0x38;
	[tilespmem:$0x18380] =	vst v63  }
0x152: {  	_ =	swait.ge [sflag:s4], $0x2580  }
0x153: {  	[sflag:s4] =	ssyncset.done $0x0  }
0x154: {  	[sflag:s4] =	ssyncadd.s32 $0xFFFFDA80  }
0x155: {  	s15 =	sadd.s32 $0x1, s15;
	_ =	swait.ge [sflag:s13], $0x2580  }
0x156: {  	p3 =	sne.s32 s15, s10;
	[sflag:s13] =	ssyncset.done $0x0  }
.Ltmp4:
0x157: {  	[sflag:s13] =	ssyncadd.s32 $0xFFFFDA80;
	(pc) =	sbr.rel @p3 .LBB2_1-.Ltmp4, $4  }
0x158: {  	[hbm4b:s9+s2] =	stream.linear.scatter [tilespmem:s12], [sflag:$0x3], $0x13880, $0x38;
	[tilespmem:$0x18380] =	vst v63  }
0x159: {  	_ =	swait.ge [sflag:s14], $0x13880  }
0x15a: {  	[sflag:s14] =	ssyncset.done $0x0  }
0x15b: {  	[sflag:s14] =	ssyncadd.s32 $0xFFFEC780  }
0x15c: {  	_ =	sfence.sel $0x180000  }
0x15d: {  	[bflag:$0x0] =	sbarrier.arrive $0xFFFF  }
0x15e: {  	p0 =	sne.s32 s1, $0x0;
	_ =	strace $0x90000047  }
0x15f: {  	s0 =	sadd.s32 @!p0 $0x100000, s0;
	[bflag:$0x2] =	sbarrier.arrive $0xFFFF  }
0x160: {  	[sflag:s0] =	ssyncadd.tile.s32 @!p0 $0x1;
	_ =	shalt  }
.Lfunc_end2:
_tile_overlayer_lowered:
.L_overlay_start_2:
0x161: {  	(tag) =	ssettag $0x2  }
0x162: {  	s0 =	rddreg [dreg:$0x0];
	s2 =	stileid.u32  }
0x163: {  	s1 =	rddreg [dreg:$0x1];
	p0 =	sne.s32 s2, $0x0  }
0x164: {  	s3 =	rddreg [dreg:$0x2];
	[bflag:$0x3] =	sbarrier.arrive $0xFFFF;
	s2 =	simm.s32 @!p0 $0x1C03  }
0x165: {  	[timem:s3], [sflag:s2] =	dma.local @!p0 [hbm:s0], s1  }
0x166: {  	s0 =	simm.s32 @!p0 $0x3  }
0x167: {  	_ =	swait.ge @!p0 [sflag:s0], s1  }
0x168: {  	s1 =	ssub.s32 @!p0 $0x0, s1;
	[sflag:s0] =	ssyncset.done @!p0 $0x0  }
0x169: {  	[sflag:s0] =	ssyncadd.s32 @!p0 s1  }
0x16a: {  	[bflag:$0x3] =	sbarrier.arrive $0xFFFF  }
0x16b: {  	_ =	shalt  }

</sc_bundles>
